<compile_context>
chip_gen: v7x
topology: tpu7x:2x2x1
jax: 0.10.2.dev20260603
libtpu: 0.0.44.dev20260713+nightly
codegen_flags: <defaults>
</compile_context>

<pallas_src>
import functools

import jax
import jax.numpy as jnp
from jax import lax
from jax.experimental import pallas as pl
from jax.experimental.pallas import tpu as pltpu
from jax.experimental.pallas import tpu_sc as plsc

VOCAB_SIZE = 100000
HIDDEN = 128
BATCH = 4096
SEQ = 50
N = BATCH * SEQ
CHUNK = 80
NBUF = 8


def _sc_embedding_gather(idx_flat, table):
    info = plsc.get_sparse_core_info()
    nw = info.num_cores * info.num_subcores
    idx_per_w = N // nw
    chunks_per_w = idx_per_w // CHUNK
    n_groups = chunks_per_w // NBUF
    mesh = plsc.VectorSubcoreMesh(core_axis_name="c", subcore_axis_name="s")

    @functools.partial(
        pl.kernel,
        mesh=mesh,
        out_type=jax.ShapeDtypeStruct((N, HIDDEN), jnp.float32),
        scratch_types=[pltpu.VMEM((idx_per_w,), jnp.int32)]
        + [pltpu.VMEM((CHUNK, HIDDEN), jnp.float32) for _ in range(NBUF)]
        + [pltpu.SemaphoreType.DMA for _ in range(2 * NBUF)],
    )
    def k(idx_hbm, table_hbm, out_hbm, idx_v, *scratch):
        bufs = scratch[:NBUF]
        gsem = scratch[NBUF:2 * NBUF]
        ssem = scratch[2 * NBUF:]
        wid = lax.axis_index("s") * info.num_cores + lax.axis_index("c")
        base = wid * idx_per_w
        pltpu.sync_copy(idx_hbm.at[pl.ds(base, idx_per_w)], idx_v)

        def gather(j, b):
            gidx = idx_v.at[pl.ds(j * CHUNK, CHUNK)]
            return pltpu.make_async_copy(table_hbm.at[gidx], bufs[b], gsem[b])

        def scatter(j, b):
            dst = out_hbm.at[pl.ds(base + j * CHUNK, CHUNK)]
            return pltpu.make_async_copy(bufs[b], dst, ssem[b])

        for b in range(NBUF):
            gather(b, b).start()

        def body(g, carry):
            for b in range(NBUF):
                j = g * NBUF + b
                gather(j, b).wait()
                scatter(j, b).start()
            for b in range(NBUF):
                j = g * NBUF + b
                scatter(j, b).wait()
                gather(j + NBUF, b).start()
            return carry

        lax.fori_loop(0, n_groups - 1, body, 0)

        g_last = n_groups - 1
        for b in range(NBUF):
            j = g_last * NBUF + b
            gather(j, b).wait()
            scatter(j, b).start()
        for b in range(NBUF):
            scatter(g_last * NBUF + b, b).wait()

    return k(idx_flat, table)


def kernel(x, embed_weight):
    idx_flat = x.astype(jnp.int32).T.reshape(N)
    out = _sc_embedding_gather(idx_flat, embed_weight)
    return out.reshape(SEQ, BATCH, HIDDEN).transpose(1, 0, 2)

# --- scband reference (transcript-rebuilt; emitter-appended) ---
"""Pipeline reference for scband-token-embedding-9844065042576 (READ-ONLY COPY).

The authoritative reference and input builder live on the scoring server;
editing this copy changes nothing except your own understanding.
"""

import jax, jax.numpy as jnp
import numpy as np

VOCAB_SIZE = 100000
HIDDEN_SIZE = 128
BATCH = 4096
SEQ = 50

def setup_inputs(seed: int = 0) -> dict:
    key = jax.random.key(seed)
    k1, k2 = jax.random.split(key)
    x = jax.random.randint(k1, (BATCH, SEQ), 0, VOCAB_SIZE, dtype=jnp.int64 if jax.config.jax_enable_x64 else jnp.int32)
    embed_weight = jax.random.normal(k2, (VOCAB_SIZE, HIDDEN_SIZE), dtype=jnp.float32)
    return {"x": x, "embed_weight": embed_weight}

def reference(x, embed_weight):
    # nn.Embedding forward: gather rows of the table by index
    return jnp.take(embed_weight, x, axis=0)

if __name__ == "__main__":
    import jax
    _d = setup_inputs()
    print(jax.jit(kernel)(*tuple(_d.values())))

</pallas_src>

<mosaic_0001>
#map = affine_map<(d0, d1) -> (0)>
#map1 = affine_map<(d0, d1) -> (0, 0)>
module attributes {stable_mosaic.version = 14 : i64} {
  func.func @k(%arg0: i32, %arg1: i32, %arg2: memref<204800xi32, #tpu.memory_space<hbm>>, %arg3: memref<100000x128xf32, #tpu.memory_space<hbm>>, %arg4: memref<204800x128xf32, #tpu.memory_space<hbm>>, %arg5: memref<6400xi32, #tpu.memory_space<vmem>>, %arg6: memref<80x128xf32, #tpu.memory_space<vmem>>, %arg7: memref<80x128xf32, #tpu.memory_space<vmem>>, %arg8: memref<80x128xf32, #tpu.memory_space<vmem>>, %arg9: memref<80x128xf32, #tpu.memory_space<vmem>>, %arg10: memref<80x128xf32, #tpu.memory_space<vmem>>, %arg11: memref<80x128xf32, #tpu.memory_space<vmem>>, %arg12: memref<80x128xf32, #tpu.memory_space<vmem>>, %arg13: memref<80x128xf32, #tpu.memory_space<vmem>>, %arg14: memref<!tpu.dma_semaphore, #tpu.memory_space<semaphore_mem>>, %arg15: memref<!tpu.dma_semaphore, #tpu.memory_space<semaphore_mem>>, %arg16: memref<!tpu.dma_semaphore, #tpu.memory_space<semaphore_mem>>, %arg17: memref<!tpu.dma_semaphore, #tpu.memory_space<semaphore_mem>>, %arg18: memref<!tpu.dma_semaphore, #tpu.memory_space<semaphore_mem>>, %arg19: memref<!tpu.dma_semaphore, #tpu.memory_space<semaphore_mem>>, %arg20: memref<!tpu.dma_semaphore, #tpu.memory_space<semaphore_mem>>, %arg21: memref<!tpu.dma_semaphore, #tpu.memory_space<semaphore_mem>>, %arg22: memref<!tpu.dma_semaphore, #tpu.memory_space<semaphore_mem>>, %arg23: memref<!tpu.dma_semaphore, #tpu.memory_space<semaphore_mem>>, %arg24: memref<!tpu.dma_semaphore, #tpu.memory_space<semaphore_mem>>, %arg25: memref<!tpu.dma_semaphore, #tpu.memory_space<semaphore_mem>>, %arg26: memref<!tpu.dma_semaphore, #tpu.memory_space<semaphore_mem>>, %arg27: memref<!tpu.dma_semaphore, #tpu.memory_space<semaphore_mem>>, %arg28: memref<!tpu.dma_semaphore, #tpu.memory_space<semaphore_mem>>, %arg29: memref<!tpu.dma_semaphore, #tpu.memory_space<semaphore_mem>>) attributes {dimension_semantics = [#tpu.dimension_semantics<core_parallel>, #tpu.dimension_semantics<subcore_parallel>], iteration_bounds = array<i64: 2, 16>, scalar_prefetch = 0 : i64, scratch_operands = 25 : i64, tpu.core_type = #tpu.core_type<sc_vector_subcore>, window_params = [{transform_indices = #map}, {transform_indices = #map1}, {transform_indices = #map1}]} {
    %mul3A = arith.constant 2 : i32
    %mul3A_0 = arith.muli %arg1, %mul3A : i32
    %add3A = arith.addi %mul3A_0, %arg0 : i32
    %mul3A_1 = arith.constant 6400 : i32
    %mul3A_2 = arith.muli %add3A, %mul3A_1 : i32
    "tpu.region"() ({
      %run_scoped3A = tpu.sem_alloc : memref<!tpu.dma_semaphore, #tpu.memory_space<semaphore_mem>>
      %dma_start3A_182 = tpu.memref_slice %arg2[%mul3A_2] : memref<204800xi32, #tpu.memory_space<hbm>> -> memref<6400xi32, #tpu.memory_space<hbm>>
      %dma_start3A_183 = tpu.memref_slice %arg2[%mul3A_2] : memref<204800xi32, #tpu.memory_space<hbm>> -> memref<6400xi32, #tpu.memory_space<hbm>>
      tpu.enqueue_dma source(%dma_start3A_183 : memref<6400xi32, #tpu.memory_space<hbm>>) target(%arg5 : memref<6400xi32, #tpu.memory_space<vmem>>) target_semaphore(%run_scoped3A : memref<!tpu.dma_semaphore, #tpu.memory_space<semaphore_mem>>)
      %dma_wait3A_184 = tpu.memref_slice %arg2[%mul3A_2] : memref<204800xi32, #tpu.memory_space<hbm>> -> memref<6400xi32, #tpu.memory_space<hbm>>
      %dma_wait3A_185 = tpu.memref_slice %arg2[%mul3A_2] : memref<204800xi32, #tpu.memory_space<hbm>> -> memref<6400xi32, #tpu.memory_space<hbm>>
      tpu.wait_dma2 semaphore(%run_scoped3A : memref<!tpu.dma_semaphore, #tpu.memory_space<semaphore_mem>>) src(%dma_wait3A_185 : memref<6400xi32, #tpu.memory_space<hbm>>) dst(%arg5 : memref<6400xi32, #tpu.memory_space<vmem>>)
      tpu.yield
    }) : () -> ()
    %dma_start3A = arith.constant 0 : i32
    %dma_start3A_3 = tpu.memref_slice %arg5[%dma_start3A] : memref<6400xi32, #tpu.memory_space<vmem>> -> memref<80xi32, #tpu.memory_space<vmem>>
    %dma_start3A_4 = arith.constant 0 : i32
    %dma_start3A_5 = arith.constant 0 : i32
    %dma_start3A_6 = tpu.memref_slice %arg3[%dma_start3A_4, %dma_start3A_5] : memref<100000x128xf32, #tpu.memory_space<hbm>> -> memref<100000x128xf32, #tpu.memory_space<hbm>>
    tpu.enqueue_indirect_dma source(%dma_start3A_6 : memref<100000x128xf32, #tpu.memory_space<hbm>>) target(%arg6 : memref<80x128xf32, #tpu.memory_space<vmem>>) offsets(%dma_start3A_3 : memref<80xi32, #tpu.memory_space<vmem>>) semaphore(%arg14 : memref<!tpu.dma_semaphore, #tpu.memory_space<semaphore_mem>>)
    %dma_start3A_7 = arith.constant 80 : i32
    %dma_start3A_8 = tpu.memref_slice %arg5[%dma_start3A_7] : memref<6400xi32, #tpu.memory_space<vmem>> -> memref<80xi32, #tpu.memory_space<vmem>>
    %dma_start3A_9 = arith.constant 0 : i32
    %dma_start3A_10 = arith.constant 0 : i32
    %dma_start3A_11 = tpu.memref_slice %arg3[%dma_start3A_9, %dma_start3A_10] : memref<100000x128xf32, #tpu.memory_space<hbm>> -> memref<100000x128xf32, #tpu.memory_space<hbm>>
    tpu.enqueue_indirect_dma source(%dma_start3A_11 : memref<100000x128xf32, #tpu.memory_space<hbm>>) target(%arg7 : memref<80x128xf32, #tpu.memory_space<vmem>>) offsets(%dma_start3A_8 : memref<80xi32, #tpu.memory_space<vmem>>) semaphore(%arg15 : memref<!tpu.dma_semaphore, #tpu.memory_space<semaphore_mem>>)
    %dma_start3A_12 = arith.constant 160 : i32
    %dma_start3A_13 = tpu.memref_slice %arg5[%dma_start3A_12] : memref<6400xi32, #tpu.memory_space<vmem>> -> memref<80xi32, #tpu.memory_space<vmem>>
    %dma_start3A_14 = arith.constant 0 : i32
    %dma_start3A_15 = arith.constant 0 : i32
    %dma_start3A_16 = tpu.memref_slice %arg3[%dma_start3A_14, %dma_start3A_15] : memref<100000x128xf32, #tpu.memory_space<hbm>> -> memref<100000x128xf32, #tpu.memory_space<hbm>>
    tpu.enqueue_indirect_dma source(%dma_start3A_16 : memref<100000x128xf32, #tpu.memory_space<hbm>>) target(%arg8 : memref<80x128xf32, #tpu.memory_space<vmem>>) offsets(%dma_start3A_13 : memref<80xi32, #tpu.memory_space<vmem>>) semaphore(%arg16 : memref<!tpu.dma_semaphore, #tpu.memory_space<semaphore_mem>>)
    %dma_start3A_17 = arith.constant 240 : i32
    %dma_start3A_18 = tpu.memref_slice %arg5[%dma_start3A_17] : memref<6400xi32, #tpu.memory_space<vmem>> -> memref<80xi32, #tpu.memory_space<vmem>>
    %dma_start3A_19 = arith.constant 0 : i32
    %dma_start3A_20 = arith.constant 0 : i32
    %dma_start3A_21 = tpu.memref_slice %arg3[%dma_start3A_19, %dma_start3A_20] : memref<100000x128xf32, #tpu.memory_space<hbm>> -> memref<100000x128xf32, #tpu.memory_space<hbm>>
    tpu.enqueue_indirect_dma source(%dma_start3A_21 : memref<100000x128xf32, #tpu.memory_space<hbm>>) target(%arg9 : memref<80x128xf32, #tpu.memory_space<vmem>>) offsets(%dma_start3A_18 : memref<80xi32, #tpu.memory_space<vmem>>) semaphore(%arg17 : memref<!tpu.dma_semaphore, #tpu.memory_space<semaphore_mem>>)
    %dma_start3A_22 = arith.constant 320 : i32
    %dma_start3A_23 = tpu.memref_slice %arg5[%dma_start3A_22] : memref<6400xi32, #tpu.memory_space<vmem>> -> memref<80xi32, #tpu.memory_space<vmem>>
    %dma_start3A_24 = arith.constant 0 : i32
    %dma_start3A_25 = arith.constant 0 : i32
    %dma_start3A_26 = tpu.memref_slice %arg3[%dma_start3A_24, %dma_start3A_25] : memref<100000x128xf32, #tpu.memory_space<hbm>> -> memref<100000x128xf32, #tpu.memory_space<hbm>>
    tpu.enqueue_indirect_dma source(%dma_start3A_26 : memref<100000x128xf32, #tpu.memory_space<hbm>>) target(%arg10 : memref<80x128xf32, #tpu.memory_space<vmem>>) offsets(%dma_start3A_23 : memref<80xi32, #tpu.memory_space<vmem>>) semaphore(%arg18 : memref<!tpu.dma_semaphore, #tpu.memory_space<semaphore_mem>>)
    %dma_start3A_27 = arith.constant 400 : i32
    %dma_start3A_28 = tpu.memref_slice %arg5[%dma_start3A_27] : memref<6400xi32, #tpu.memory_space<vmem>> -> memref<80xi32, #tpu.memory_space<vmem>>
    %dma_start3A_29 = arith.constant 0 : i32
    %dma_start3A_30 = arith.constant 0 : i32
    %dma_start3A_31 = tpu.memref_slice %arg3[%dma_start3A_29, %dma_start3A_30] : memref<100000x128xf32, #tpu.memory_space<hbm>> -> memref<100000x128xf32, #tpu.memory_space<hbm>>
    tpu.enqueue_indirect_dma source(%dma_start3A_31 : memref<100000x128xf32, #tpu.memory_space<hbm>>) target(%arg11 : memref<80x128xf32, #tpu.memory_space<vmem>>) offsets(%dma_start3A_28 : memref<80xi32, #tpu.memory_space<vmem>>) semaphore(%arg19 : memref<!tpu.dma_semaphore, #tpu.memory_space<semaphore_mem>>)
    %dma_start3A_32 = arith.constant 480 : i32
    %dma_start3A_33 = tpu.memref_slice %arg5[%dma_start3A_32] : memref<6400xi32, #tpu.memory_space<vmem>> -> memref<80xi32, #tpu.memory_space<vmem>>
    %dma_start3A_34 = arith.constant 0 : i32
    %dma_start3A_35 = arith.constant 0 : i32
    %dma_start3A_36 = tpu.memref_slice %arg3[%dma_start3A_34, %dma_start3A_35] : memref<100000x128xf32, #tpu.memory_space<hbm>> -> memref<100000x128xf32, #tpu.memory_space<hbm>>
    tpu.enqueue_indirect_dma source(%dma_start3A_36 : memref<100000x128xf32, #tpu.memory_space<hbm>>) target(%arg12 : memref<80x128xf32, #tpu.memory_space<vmem>>) offsets(%dma_start3A_33 : memref<80xi32, #tpu.memory_space<vmem>>) semaphore(%arg20 : memref<!tpu.dma_semaphore, #tpu.memory_space<semaphore_mem>>)
    %dma_start3A_37 = arith.constant 560 : i32
    %dma_start3A_38 = tpu.memref_slice %arg5[%dma_start3A_37] : memref<6400xi32, #tpu.memory_space<vmem>> -> memref<80xi32, #tpu.memory_space<vmem>>
    %dma_start3A_39 = arith.constant 0 : i32
    %dma_start3A_40 = arith.constant 0 : i32
    %dma_start3A_41 = tpu.memref_slice %arg3[%dma_start3A_39, %dma_start3A_40] : memref<100000x128xf32, #tpu.memory_space<hbm>> -> memref<100000x128xf32, #tpu.memory_space<hbm>>
    tpu.enqueue_indirect_dma source(%dma_start3A_41 : memref<100000x128xf32, #tpu.memory_space<hbm>>) target(%arg13 : memref<80x128xf32, #tpu.memory_space<vmem>>) offsets(%dma_start3A_38 : memref<80xi32, #tpu.memory_space<vmem>>) semaphore(%arg21 : memref<!tpu.dma_semaphore, #tpu.memory_space<semaphore_mem>>)
    %scan3A = arith.constant 0 : i32
    %scan3A_42 = arith.constant 0 : i32
    %scan3A_43 = arith.constant 9 : i32
    %scan3A_44 = arith.addi %scan3A_42, %scan3A_43 : i32
    %scan3A_45 = arith.constant 1 : i32
    scf.for %scan3A_182 = %scan3A_42 to %scan3A_44 step %scan3A_45  : i32 {
      %mul3A_183 = arith.constant 8 : i32
      %mul3A_184 = arith.muli %scan3A_182, %mul3A_183 : i32
      %add3A_185 = arith.constant 0 : i32
      %add3A_186 = arith.addi %mul3A_184, %add3A_185 : i32
      %mul3A_187 = arith.constant 80 : i32
      %mul3A_188 = arith.muli %add3A_186, %mul3A_187 : i32
      %dma_wait3A_189 = tpu.memref_slice %arg5[%mul3A_188] : memref<6400xi32, #tpu.memory_space<vmem>> -> memref<80xi32, #tpu.memory_space<vmem>>
      %dma_wait3A_190 = arith.constant 0 : i32
      %dma_wait3A_191 = arith.constant 0 : i32
      %dma_wait3A_192 = tpu.memref_slice %arg3[%dma_wait3A_190, %dma_wait3A_191] : memref<100000x128xf32, #tpu.memory_space<hbm>> -> memref<100000x128xf32, #tpu.memory_space<hbm>>
      tpu.wait_indirect_dma semaphore(%arg14 : memref<!tpu.dma_semaphore, #tpu.memory_space<semaphore_mem>>) src(%dma_wait3A_192 : memref<100000x128xf32, #tpu.memory_space<hbm>>) dst(%arg6 : memref<80x128xf32, #tpu.memory_space<vmem>>)
      %mul3A_193 = arith.constant 80 : i32
      %mul3A_194 = arith.muli %add3A_186, %mul3A_193 : i32
      %add3A_195 = arith.addi %mul3A_2, %mul3A_194 : i32
      %dma_start3A_196 = arith.constant 0 : i32
      %dma_start3A_197 = tpu.memref_slice %arg4[%add3A_195, %dma_start3A_196] : memref<204800x128xf32, #tpu.memory_space<hbm>> -> memref<80x128xf32, #tpu.memory_space<hbm>>
      %dma_start3A_198 = arith.constant 0 : i32
      %dma_start3A_199 = tpu.memref_slice %arg4[%add3A_195, %dma_start3A_198] : memref<204800x128xf32, #tpu.memory_space<hbm>> -> memref<80x128xf32, #tpu.memory_space<hbm>>
      tpu.enqueue_dma source(%arg6 : memref<80x128xf32, #tpu.memory_space<vmem>>) target(%dma_start3A_199 : memref<80x128xf32, #tpu.memory_space<hbm>>) target_semaphore(%arg22 : memref<!tpu.dma_semaphore, #tpu.memory_space<semaphore_mem>>)
      %mul3A_200 = arith.constant 8 : i32
      %mul3A_201 = arith.muli %scan3A_182, %mul3A_200 : i32
      %add3A_202 = arith.constant 1 : i32
      %add3A_203 = arith.addi %mul3A_201, %add3A_202 : i32
      %mul3A_204 = arith.constant 80 : i32
      %mul3A_205 = arith.muli %add3A_203, %mul3A_204 : i32
      %dma_wait3A_206 = tpu.memref_slice %arg5[%mul3A_205] : memref<6400xi32, #tpu.memory_space<vmem>> -> memref<80xi32, #tpu.memory_space<vmem>>
      %dma_wait3A_207 = arith.constant 0 : i32
      %dma_wait3A_208 = arith.constant 0 : i32
      %dma_wait3A_209 = tpu.memref_slice %arg3[%dma_wait3A_207, %dma_wait3A_208] : memref<100000x128xf32, #tpu.memory_space<hbm>> -> memref<100000x128xf32, #tpu.memory_space<hbm>>
      tpu.wait_indirect_dma semaphore(%arg15 : memref<!tpu.dma_semaphore, #tpu.memory_space<semaphore_mem>>) src(%dma_wait3A_209 : memref<100000x128xf32, #tpu.memory_space<hbm>>) dst(%arg7 : memref<80x128xf32, #tpu.memory_space<vmem>>)
      %mul3A_210 = arith.constant 80 : i32
      %mul3A_211 = arith.muli %add3A_203, %mul3A_210 : i32
      %add3A_212 = arith.addi %mul3A_2, %mul3A_211 : i32
      %dma_start3A_213 = arith.constant 0 : i32
      %dma_start3A_214 = tpu.memref_slice %arg4[%add3A_212, %dma_start3A_213] : memref<204800x128xf32, #tpu.memory_space<hbm>> -> memref<80x128xf32, #tpu.memory_space<hbm>>
      %dma_start3A_215 = arith.constant 0 : i32
      %dma_start3A_216 = tpu.memref_slice %arg4[%add3A_212, %dma_start3A_215] : memref<204800x128xf32, #tpu.memory_space<hbm>> -> memref<80x128xf32, #tpu.memory_space<hbm>>
      tpu.enqueue_dma source(%arg7 : memref<80x128xf32, #tpu.memory_space<vmem>>) target(%dma_start3A_216 : memref<80x128xf32, #tpu.memory_space<hbm>>) target_semaphore(%arg23 : memref<!tpu.dma_semaphore, #tpu.memory_space<semaphore_mem>>)
      %mul3A_217 = arith.constant 8 : i32
      %mul3A_218 = arith.muli %scan3A_182, %mul3A_217 : i32
      %add3A_219 = arith.constant 2 : i32
      %add3A_220 = arith.addi %mul3A_218, %add3A_219 : i32
      %mul3A_221 = arith.constant 80 : i32
      %mul3A_222 = arith.muli %add3A_220, %mul3A_221 : i32
      %dma_wait3A_223 = tpu.memref_slice %arg5[%mul3A_222] : memref<6400xi32, #tpu.memory_space<vmem>> -> memref<80xi32, #tpu.memory_space<vmem>>
      %dma_wait3A_224 = arith.constant 0 : i32
      %dma_wait3A_225 = arith.constant 0 : i32
      %dma_wait3A_226 = tpu.memref_slice %arg3[%dma_wait3A_224, %dma_wait3A_225] : memref<100000x128xf32, #tpu.memory_space<hbm>> -> memref<100000x128xf32, #tpu.memory_space<hbm>>
      tpu.wait_indirect_dma semaphore(%arg16 : memref<!tpu.dma_semaphore, #tpu.memory_space<semaphore_mem>>) src(%dma_wait3A_226 : memref<100000x128xf32, #tpu.memory_space<hbm>>) dst(%arg8 : memref<80x128xf32, #tpu.memory_space<vmem>>)
      %mul3A_227 = arith.constant 80 : i32
      %mul3A_228 = arith.muli %add3A_220, %mul3A_227 : i32
      %add3A_229 = arith.addi %mul3A_2, %mul3A_228 : i32
      %dma_start3A_230 = arith.constant 0 : i32
      %dma_start3A_231 = tpu.memref_slice %arg4[%add3A_229, %dma_start3A_230] : memref<204800x128xf32, #tpu.memory_space<hbm>> -> memref<80x128xf32, #tpu.memory_space<hbm>>
      %dma_start3A_232 = arith.constant 0 : i32
      %dma_start3A_233 = tpu.memref_slice %arg4[%add3A_229, %dma_start3A_232] : memref<204800x128xf32, #tpu.memory_space<hbm>> -> memref<80x128xf32, #tpu.memory_space<hbm>>
      tpu.enqueue_dma source(%arg8 : memref<80x128xf32, #tpu.memory_space<vmem>>) target(%dma_start3A_233 : memref<80x128xf32, #tpu.memory_space<hbm>>) target_semaphore(%arg24 : memref<!tpu.dma_semaphore, #tpu.memory_space<semaphore_mem>>)
      %mul3A_234 = arith.constant 8 : i32
      %mul3A_235 = arith.muli %scan3A_182, %mul3A_234 : i32
      %add3A_236 = arith.constant 3 : i32
      %add3A_237 = arith.addi %mul3A_235, %add3A_236 : i32
      %mul3A_238 = arith.constant 80 : i32
      %mul3A_239 = arith.muli %add3A_237, %mul3A_238 : i32
      %dma_wait3A_240 = tpu.memref_slice %arg5[%mul3A_239] : memref<6400xi32, #tpu.memory_space<vmem>> -> memref<80xi32, #tpu.memory_space<vmem>>
      %dma_wait3A_241 = arith.constant 0 : i32
      %dma_wait3A_242 = arith.constant 0 : i32
      %dma_wait3A_243 = tpu.memref_slice %arg3[%dma_wait3A_241, %dma_wait3A_242] : memref<100000x128xf32, #tpu.memory_space<hbm>> -> memref<100000x128xf32, #tpu.memory_space<hbm>>
      tpu.wait_indirect_dma semaphore(%arg17 : memref<!tpu.dma_semaphore, #tpu.memory_space<semaphore_mem>>) src(%dma_wait3A_243 : memref<100000x128xf32, #tpu.memory_space<hbm>>) dst(%arg9 : memref<80x128xf32, #tpu.memory_space<vmem>>)
      %mul3A_244 = arith.constant 80 : i32
      %mul3A_245 = arith.muli %add3A_237, %mul3A_244 : i32
      %add3A_246 = arith.addi %mul3A_2, %mul3A_245 : i32
      %dma_start3A_247 = arith.constant 0 : i32
      %dma_start3A_248 = tpu.memref_slice %arg4[%add3A_246, %dma_start3A_247] : memref<204800x128xf32, #tpu.memory_space<hbm>> -> memref<80x128xf32, #tpu.memory_space<hbm>>
      %dma_start3A_249 = arith.constant 0 : i32
      %dma_start3A_250 = tpu.memref_slice %arg4[%add3A_246, %dma_start3A_249] : memref<204800x128xf32, #tpu.memory_space<hbm>> -> memref<80x128xf32, #tpu.memory_space<hbm>>
      tpu.enqueue_dma source(%arg9 : memref<80x128xf32, #tpu.memory_space<vmem>>) target(%dma_start3A_250 : memref<80x128xf32, #tpu.memory_space<hbm>>) target_semaphore(%arg25 : memref<!tpu.dma_semaphore, #tpu.memory_space<semaphore_mem>>)
      %mul3A_251 = arith.constant 8 : i32
      %mul3A_252 = arith.muli %scan3A_182, %mul3A_251 : i32
      %add3A_253 = arith.constant 4 : i32
      %add3A_254 = arith.addi %mul3A_252, %add3A_253 : i32
      %mul3A_255 = arith.constant 80 : i32
      %mul3A_256 = arith.muli %add3A_254, %mul3A_255 : i32
      %dma_wait3A_257 = tpu.memref_slice %arg5[%mul3A_256] : memref<6400xi32, #tpu.memory_space<vmem>> -> memref<80xi32, #tpu.memory_space<vmem>>
      %dma_wait3A_258 = arith.constant 0 : i32
      %dma_wait3A_259 = arith.constant 0 : i32
      %dma_wait3A_260 = tpu.memref_slice %arg3[%dma_wait3A_258, %dma_wait3A_259] : memref<100000x128xf32, #tpu.memory_space<hbm>> -> memref<100000x128xf32, #tpu.memory_space<hbm>>
      tpu.wait_indirect_dma semaphore(%arg18 : memref<!tpu.dma_semaphore, #tpu.memory_space<semaphore_mem>>) src(%dma_wait3A_260 : memref<100000x128xf32, #tpu.memory_space<hbm>>) dst(%arg10 : memref<80x128xf32, #tpu.memory_space<vmem>>)
      %mul3A_261 = arith.constant 80 : i32
      %mul3A_262 = arith.muli %add3A_254, %mul3A_261 : i32
      %add3A_263 = arith.addi %mul3A_2, %mul3A_262 : i32
      %dma_start3A_264 = arith.constant 0 : i32
      %dma_start3A_265 = tpu.memref_slice %arg4[%add3A_263, %dma_start3A_264] : memref<204800x128xf32, #tpu.memory_space<hbm>> -> memref<80x128xf32, #tpu.memory_space<hbm>>
      %dma_start3A_266 = arith.constant 0 : i32
      %dma_start3A_267 = tpu.memref_slice %arg4[%add3A_263, %dma_start3A_266] : memref<204800x128xf32, #tpu.memory_space<hbm>> -> memref<80x128xf32, #tpu.memory_space<hbm>>
      tpu.enqueue_dma source(%arg10 : memref<80x128xf32, #tpu.memory_space<vmem>>) target(%dma_start3A_267 : memref<80x128xf32, #tpu.memory_space<hbm>>) target_semaphore(%arg26 : memref<!tpu.dma_semaphore, #tpu.memory_space<semaphore_mem>>)
      %mul3A_268 = arith.constant 8 : i32
      %mul3A_269 = arith.muli %scan3A_182, %mul3A_268 : i32
      %add3A_270 = arith.constant 5 : i32
      %add3A_271 = arith.addi %mul3A_269, %add3A_270 : i32
      %mul3A_272 = arith.constant 80 : i32
      %mul3A_273 = arith.muli %add3A_271, %mul3A_272 : i32
      %dma_wait3A_274 = tpu.memref_slice %arg5[%mul3A_273] : memref<6400xi32, #tpu.memory_space<vmem>> -> memref<80xi32, #tpu.memory_space<vmem>>
      %dma_wait3A_275 = arith.constant 0 : i32
      %dma_wait3A_276 = arith.constant 0 : i32
      %dma_wait3A_277 = tpu.memref_slice %arg3[%dma_wait3A_275, %dma_wait3A_276] : memref<100000x128xf32, #tpu.memory_space<hbm>> -> memref<100000x128xf32, #tpu.memory_space<hbm>>
      tpu.wait_indirect_dma semaphore(%arg19 : memref<!tpu.dma_semaphore, #tpu.memory_space<semaphore_mem>>) src(%dma_wait3A_277 : memref<100000x128xf32, #tpu.memory_space<hbm>>) dst(%arg11 : memref<80x128xf32, #tpu.memory_space<vmem>>)
      %mul3A_278 = arith.constant 80 : i32
      %mul3A_279 = arith.muli %add3A_271, %mul3A_278 : i32
      %add3A_280 = arith.addi %mul3A_2, %mul3A_279 : i32
      %dma_start3A_281 = arith.constant 0 : i32
      %dma_start3A_282 = tpu.memref_slice %arg4[%add3A_280, %dma_start3A_281] : memref<204800x128xf32, #tpu.memory_space<hbm>> -> memref<80x128xf32, #tpu.memory_space<hbm>>
      %dma_start3A_283 = arith.constant 0 : i32
      %dma_start3A_284 = tpu.memref_slice %arg4[%add3A_280, %dma_start3A_283] : memref<204800x128xf32, #tpu.memory_space<hbm>> -> memref<80x128xf32, #tpu.memory_space<hbm>>
      tpu.enqueue_dma source(%arg11 : memref<80x128xf32, #tpu.memory_space<vmem>>) target(%dma_start3A_284 : memref<80x128xf32, #tpu.memory_space<hbm>>) target_semaphore(%arg27 : memref<!tpu.dma_semaphore, #tpu.memory_space<semaphore_mem>>)
      %mul3A_285 = arith.constant 8 : i32
      %mul3A_286 = arith.muli %scan3A_182, %mul3A_285 : i32
      %add3A_287 = arith.constant 6 : i32
      %add3A_288 = arith.addi %mul3A_286, %add3A_287 : i32
      %mul3A_289 = arith.constant 80 : i32
      %mul3A_290 = arith.muli %add3A_288, %mul3A_289 : i32
      %dma_wait3A_291 = tpu.memref_slice %arg5[%mul3A_290] : memref<6400xi32, #tpu.memory_space<vmem>> -> memref<80xi32, #tpu.memory_space<vmem>>
      %dma_wait3A_292 = arith.constant 0 : i32
      %dma_wait3A_293 = arith.constant 0 : i32
      %dma_wait3A_294 = tpu.memref_slice %arg3[%dma_wait3A_292, %dma_wait3A_293] : memref<100000x128xf32, #tpu.memory_space<hbm>> -> memref<100000x128xf32, #tpu.memory_space<hbm>>
      tpu.wait_indirect_dma semaphore(%arg20 : memref<!tpu.dma_semaphore, #tpu.memory_space<semaphore_mem>>) src(%dma_wait3A_294 : memref<100000x128xf32, #tpu.memory_space<hbm>>) dst(%arg12 : memref<80x128xf32, #tpu.memory_space<vmem>>)
      %mul3A_295 = arith.constant 80 : i32
      %mul3A_296 = arith.muli %add3A_288, %mul3A_295 : i32
      %add3A_297 = arith.addi %mul3A_2, %mul3A_296 : i32
      %dma_start3A_298 = arith.constant 0 : i32
      %dma_start3A_299 = tpu.memref_slice %arg4[%add3A_297, %dma_start3A_298] : memref<204800x128xf32, #tpu.memory_space<hbm>> -> memref<80x128xf32, #tpu.memory_space<hbm>>
      %dma_start3A_300 = arith.constant 0 : i32
      %dma_start3A_301 = tpu.memref_slice %arg4[%add3A_297, %dma_start3A_300] : memref<204800x128xf32, #tpu.memory_space<hbm>> -> memref<80x128xf32, #tpu.memory_space<hbm>>
      tpu.enqueue_dma source(%arg12 : memref<80x128xf32, #tpu.memory_space<vmem>>) target(%dma_start3A_301 : memref<80x128xf32, #tpu.memory_space<hbm>>) target_semaphore(%arg28 : memref<!tpu.dma_semaphore, #tpu.memory_space<semaphore_mem>>)
      %mul3A_302 = arith.constant 8 : i32
      %mul3A_303 = arith.muli %scan3A_182, %mul3A_302 : i32
      %add3A_304 = arith.constant 7 : i32
      %add3A_305 = arith.addi %mul3A_303, %add3A_304 : i32
      %mul3A_306 = arith.constant 80 : i32
      %mul3A_307 = arith.muli %add3A_305, %mul3A_306 : i32
      %dma_wait3A_308 = tpu.memref_slice %arg5[%mul3A_307] : memref<6400xi32, #tpu.memory_space<vmem>> -> memref<80xi32, #tpu.memory_space<vmem>>
      %dma_wait3A_309 = arith.constant 0 : i32
      %dma_wait3A_310 = arith.constant 0 : i32
      %dma_wait3A_311 = tpu.memref_slice %arg3[%dma_wait3A_309, %dma_wait3A_310] : memref<100000x128xf32, #tpu.memory_space<hbm>> -> memref<100000x128xf32, #tpu.memory_space<hbm>>
      tpu.wait_indirect_dma semaphore(%arg21 : memref<!tpu.dma_semaphore, #tpu.memory_space<semaphore_mem>>) src(%dma_wait3A_311 : memref<100000x128xf32, #tpu.memory_space<hbm>>) dst(%arg13 : memref<80x128xf32, #tpu.memory_space<vmem>>)
      %mul3A_312 = arith.constant 80 : i32
      %mul3A_313 = arith.muli %add3A_305, %mul3A_312 : i32
      %add3A_314 = arith.addi %mul3A_2, %mul3A_313 : i32
      %dma_start3A_315 = arith.constant 0 : i32
      %dma_start3A_316 = tpu.memref_slice %arg4[%add3A_314, %dma_start3A_315] : memref<204800x128xf32, #tpu.memory_space<hbm>> -> memref<80x128xf32, #tpu.memory_space<hbm>>
      %dma_start3A_317 = arith.constant 0 : i32
      %dma_start3A_318 = tpu.memref_slice %arg4[%add3A_314, %dma_start3A_317] : memref<204800x128xf32, #tpu.memory_space<hbm>> -> memref<80x128xf32, #tpu.memory_space<hbm>>
      tpu.enqueue_dma source(%arg13 : memref<80x128xf32, #tpu.memory_space<vmem>>) target(%dma_start3A_318 : memref<80x128xf32, #tpu.memory_space<hbm>>) target_semaphore(%arg29 : memref<!tpu.dma_semaphore, #tpu.memory_space<semaphore_mem>>)
      %mul3A_319 = arith.constant 8 : i32
      %mul3A_320 = arith.muli %scan3A_182, %mul3A_319 : i32
      %add3A_321 = arith.constant 0 : i32
      %add3A_322 = arith.addi %mul3A_320, %add3A_321 : i32
      %mul3A_323 = arith.constant 80 : i32
      %mul3A_324 = arith.muli %add3A_322, %mul3A_323 : i32
      %add3A_325 = arith.addi %mul3A_2, %mul3A_324 : i32
      %dma_wait3A_326 = arith.constant 0 : i32
      %dma_wait3A_327 = tpu.memref_slice %arg4[%add3A_325, %dma_wait3A_326] : memref<204800x128xf32, #tpu.memory_space<hbm>> -> memref<80x128xf32, #tpu.memory_space<hbm>>
      %dma_wait3A_328 = arith.constant 0 : i32
      %dma_wait3A_329 = tpu.memref_slice %arg4[%add3A_325, %dma_wait3A_328] : memref<204800x128xf32, #tpu.memory_space<hbm>> -> memref<80x128xf32, #tpu.memory_space<hbm>>
      tpu.wait_dma2 semaphore(%arg22 : memref<!tpu.dma_semaphore, #tpu.memory_space<semaphore_mem>>) src(%arg6 : memref<80x128xf32, #tpu.memory_space<vmem>>) dst(%dma_wait3A_329 : memref<80x128xf32, #tpu.memory_space<hbm>>)
      %add3A_330 = arith.constant 8 : i32
      %add3A_331 = arith.addi %add3A_322, %add3A_330 : i32
      %mul3A_332 = arith.constant 80 : i32
      %mul3A_333 = arith.muli %add3A_331, %mul3A_332 : i32
      %dma_start3A_334 = tpu.memref_slice %arg5[%mul3A_333] : memref<6400xi32, #tpu.memory_space<vmem>> -> memref<80xi32, #tpu.memory_space<vmem>>
      %dma_start3A_335 = arith.constant 0 : i32
      %dma_start3A_336 = arith.constant 0 : i32
      %dma_start3A_337 = tpu.memref_slice %arg3[%dma_start3A_335, %dma_start3A_336] : memref<100000x128xf32, #tpu.memory_space<hbm>> -> memref<100000x128xf32, #tpu.memory_space<hbm>>
      tpu.enqueue_indirect_dma source(%dma_start3A_337 : memref<100000x128xf32, #tpu.memory_space<hbm>>) target(%arg6 : memref<80x128xf32, #tpu.memory_space<vmem>>) offsets(%dma_start3A_334 : memref<80xi32, #tpu.memory_space<vmem>>) semaphore(%arg14 : memref<!tpu.dma_semaphore, #tpu.memory_space<semaphore_mem>>)
      %mul3A_338 = arith.constant 8 : i32
      %mul3A_339 = arith.muli %scan3A_182, %mul3A_338 : i32
      %add3A_340 = arith.constant 1 : i32
      %add3A_341 = arith.addi %mul3A_339, %add3A_340 : i32
      %mul3A_342 = arith.constant 80 : i32
      %mul3A_343 = arith.muli %add3A_341, %mul3A_342 : i32
      %add3A_344 = arith.addi %mul3A_2, %mul3A_343 : i32
      %dma_wait3A_345 = arith.constant 0 : i32
      %dma_wait3A_346 = tpu.memref_slice %arg4[%add3A_344, %dma_wait3A_345] : memref<204800x128xf32, #tpu.memory_space<hbm>> -> memref<80x128xf32, #tpu.memory_space<hbm>>
      %dma_wait3A_347 = arith.constant 0 : i32
      %dma_wait3A_348 = tpu.memref_slice %arg4[%add3A_344, %dma_wait3A_347] : memref<204800x128xf32, #tpu.memory_space<hbm>> -> memref<80x128xf32, #tpu.memory_space<hbm>>
      tpu.wait_dma2 semaphore(%arg23 : memref<!tpu.dma_semaphore, #tpu.memory_space<semaphore_mem>>) src(%arg7 : memref<80x128xf32, #tpu.memory_space<vmem>>) dst(%dma_wait3A_348 : memref<80x128xf32, #tpu.memory_space<hbm>>)
      %add3A_349 = arith.constant 8 : i32
      %add3A_350 = arith.addi %add3A_341, %add3A_349 : i32
      %mul3A_351 = arith.constant 80 : i32
      %mul3A_352 = arith.muli %add3A_350, %mul3A_351 : i32
      %dma_start3A_353 = tpu.memref_slice %arg5[%mul3A_352] : memref<6400xi32, #tpu.memory_space<vmem>> -> memref<80xi32, #tpu.memory_space<vmem>>
      %dma_start3A_354 = arith.constant 0 : i32
      %dma_start3A_355 = arith.constant 0 : i32
      %dma_start3A_356 = tpu.memref_slice %arg3[%dma_start3A_354, %dma_start3A_355] : memref<100000x128xf32, #tpu.memory_space<hbm>> -> memref<100000x128xf32, #tpu.memory_space<hbm>>
      tpu.enqueue_indirect_dma source(%dma_start3A_356 : memref<100000x128xf32, #tpu.memory_space<hbm>>) target(%arg7 : memref<80x128xf32, #tpu.memory_space<vmem>>) offsets(%dma_start3A_353 : memref<80xi32, #tpu.memory_space<vmem>>) semaphore(%arg15 : memref<!tpu.dma_semaphore, #tpu.memory_space<semaphore_mem>>)
      %mul3A_357 = arith.constant 8 : i32
      %mul3A_358 = arith.muli %scan3A_182, %mul3A_357 : i32
      %add3A_359 = arith.constant 2 : i32
      %add3A_360 = arith.addi %mul3A_358, %add3A_359 : i32
      %mul3A_361 = arith.constant 80 : i32
      %mul3A_362 = arith.muli %add3A_360, %mul3A_361 : i32
      %add3A_363 = arith.addi %mul3A_2, %mul3A_362 : i32
      %dma_wait3A_364 = arith.constant 0 : i32
      %dma_wait3A_365 = tpu.memref_slice %arg4[%add3A_363, %dma_wait3A_364] : memref<204800x128xf32, #tpu.memory_space<hbm>> -> memref<80x128xf32, #tpu.memory_space<hbm>>
      %dma_wait3A_366 = arith.constant 0 : i32
      %dma_wait3A_367 = tpu.memref_slice %arg4[%add3A_363, %dma_wait3A_366] : memref<204800x128xf32, #tpu.memory_space<hbm>> -> memref<80x128xf32, #tpu.memory_space<hbm>>
      tpu.wait_dma2 semaphore(%arg24 : memref<!tpu.dma_semaphore, #tpu.memory_space<semaphore_mem>>) src(%arg8 : memref<80x128xf32, #tpu.memory_space<vmem>>) dst(%dma_wait3A_367 : memref<80x128xf32, #tpu.memory_space<hbm>>)
      %add3A_368 = arith.constant 8 : i32
      %add3A_369 = arith.addi %add3A_360, %add3A_368 : i32
      %mul3A_370 = arith.constant 80 : i32
      %mul3A_371 = arith.muli %add3A_369, %mul3A_370 : i32
      %dma_start3A_372 = tpu.memref_slice %arg5[%mul3A_371] : memref<6400xi32, #tpu.memory_space<vmem>> -> memref<80xi32, #tpu.memory_space<vmem>>
      %dma_start3A_373 = arith.constant 0 : i32
      %dma_start3A_374 = arith.constant 0 : i32
      %dma_start3A_375 = tpu.memref_slice %arg3[%dma_start3A_373, %dma_start3A_374] : memref<100000x128xf32, #tpu.memory_space<hbm>> -> memref<100000x128xf32, #tpu.memory_space<hbm>>
      tpu.enqueue_indirect_dma source(%dma_start3A_375 : memref<100000x128xf32, #tpu.memory_space<hbm>>) target(%arg8 : memref<80x128xf32, #tpu.memory_space<vmem>>) offsets(%dma_start3A_372 : memref<80xi32, #tpu.memory_space<vmem>>) semaphore(%arg16 : memref<!tpu.dma_semaphore, #tpu.memory_space<semaphore_mem>>)
      %mul3A_376 = arith.constant 8 : i32
      %mul3A_377 = arith.muli %scan3A_182, %mul3A_376 : i32
      %add3A_378 = arith.constant 3 : i32
      %add3A_379 = arith.addi %mul3A_377, %add3A_378 : i32
      %mul3A_380 = arith.constant 80 : i32
      %mul3A_381 = arith.muli %add3A_379, %mul3A_380 : i32
      %add3A_382 = arith.addi %mul3A_2, %mul3A_381 : i32
      %dma_wait3A_383 = arith.constant 0 : i32
      %dma_wait3A_384 = tpu.memref_slice %arg4[%add3A_382, %dma_wait3A_383] : memref<204800x128xf32, #tpu.memory_space<hbm>> -> memref<80x128xf32, #tpu.memory_space<hbm>>
      %dma_wait3A_385 = arith.constant 0 : i32
      %dma_wait3A_386 = tpu.memref_slice %arg4[%add3A_382, %dma_wait3A_385] : memref<204800x128xf32, #tpu.memory_space<hbm>> -> memref<80x128xf32, #tpu.memory_space<hbm>>
      tpu.wait_dma2 semaphore(%arg25 : memref<!tpu.dma_semaphore, #tpu.memory_space<semaphore_mem>>) src(%arg9 : memref<80x128xf32, #tpu.memory_space<vmem>>) dst(%dma_wait3A_386 : memref<80x128xf32, #tpu.memory_space<hbm>>)
      %add3A_387 = arith.constant 8 : i32
      %add3A_388 = arith.addi %add3A_379, %add3A_387 : i32
      %mul3A_389 = arith.constant 80 : i32
      %mul3A_390 = arith.muli %add3A_388, %mul3A_389 : i32
      %dma_start3A_391 = tpu.memref_slice %arg5[%mul3A_390] : memref<6400xi32, #tpu.memory_space<vmem>> -> memref<80xi32, #tpu.memory_space<vmem>>
      %dma_start3A_392 = arith.constant 0 : i32
      %dma_start3A_393 = arith.constant 0 : i32
      %dma_start3A_394 = tpu.memref_slice %arg3[%dma_start3A_392, %dma_start3A_393] : memref<100000x128xf32, #tpu.memory_space<hbm>> -> memref<100000x128xf32, #tpu.memory_space<hbm>>
      tpu.enqueue_indirect_dma source(%dma_start3A_394 : memref<100000x128xf32, #tpu.memory_space<hbm>>) target(%arg9 : memref<80x128xf32, #tpu.memory_space<vmem>>) offsets(%dma_start3A_391 : memref<80xi32, #tpu.memory_space<vmem>>) semaphore(%arg17 : memref<!tpu.dma_semaphore, #tpu.memory_space<semaphore_mem>>)
      %mul3A_395 = arith.constant 8 : i32
      %mul3A_396 = arith.muli %scan3A_182, %mul3A_395 : i32
      %add3A_397 = arith.constant 4 : i32
      %add3A_398 = arith.addi %mul3A_396, %add3A_397 : i32
      %mul3A_399 = arith.constant 80 : i32
      %mul3A_400 = arith.muli %add3A_398, %mul3A_399 : i32
      %add3A_401 = arith.addi %mul3A_2, %mul3A_400 : i32
      %dma_wait3A_402 = arith.constant 0 : i32
      %dma_wait3A_403 = tpu.memref_slice %arg4[%add3A_401, %dma_wait3A_402] : memref<204800x128xf32, #tpu.memory_space<hbm>> -> memref<80x128xf32, #tpu.memory_space<hbm>>
      %dma_wait3A_404 = arith.constant 0 : i32
      %dma_wait3A_405 = tpu.memref_slice %arg4[%add3A_401, %dma_wait3A_404] : memref<204800x128xf32, #tpu.memory_space<hbm>> -> memref<80x128xf32, #tpu.memory_space<hbm>>
      tpu.wait_dma2 semaphore(%arg26 : memref<!tpu.dma_semaphore, #tpu.memory_space<semaphore_mem>>) src(%arg10 : memref<80x128xf32, #tpu.memory_space<vmem>>) dst(%dma_wait3A_405 : memref<80x128xf32, #tpu.memory_space<hbm>>)
      %add3A_406 = arith.constant 8 : i32
      %add3A_407 = arith.addi %add3A_398, %add3A_406 : i32
      %mul3A_408 = arith.constant 80 : i32
      %mul3A_409 = arith.muli %add3A_407, %mul3A_408 : i32
      %dma_start3A_410 = tpu.memref_slice %arg5[%mul3A_409] : memref<6400xi32, #tpu.memory_space<vmem>> -> memref<80xi32, #tpu.memory_space<vmem>>
      %dma_start3A_411 = arith.constant 0 : i32
      %dma_start3A_412 = arith.constant 0 : i32
      %dma_start3A_413 = tpu.memref_slice %arg3[%dma_start3A_411, %dma_start3A_412] : memref<100000x128xf32, #tpu.memory_space<hbm>> -> memref<100000x128xf32, #tpu.memory_space<hbm>>
      tpu.enqueue_indirect_dma source(%dma_start3A_413 : memref<100000x128xf32, #tpu.memory_space<hbm>>) target(%arg10 : memref<80x128xf32, #tpu.memory_space<vmem>>) offsets(%dma_start3A_410 : memref<80xi32, #tpu.memory_space<vmem>>) semaphore(%arg18 : memref<!tpu.dma_semaphore, #tpu.memory_space<semaphore_mem>>)
      %mul3A_414 = arith.constant 8 : i32
      %mul3A_415 = arith.muli %scan3A_182, %mul3A_414 : i32
      %add3A_416 = arith.constant 5 : i32
      %add3A_417 = arith.addi %mul3A_415, %add3A_416 : i32
      %mul3A_418 = arith.constant 80 : i32
      %mul3A_419 = arith.muli %add3A_417, %mul3A_418 : i32
      %add3A_420 = arith.addi %mul3A_2, %mul3A_419 : i32
      %dma_wait3A_421 = arith.constant 0 : i32
      %dma_wait3A_422 = tpu.memref_slice %arg4[%add3A_420, %dma_wait3A_421] : memref<204800x128xf32, #tpu.memory_space<hbm>> -> memref<80x128xf32, #tpu.memory_space<hbm>>
      %dma_wait3A_423 = arith.constant 0 : i32
      %dma_wait3A_424 = tpu.memref_slice %arg4[%add3A_420, %dma_wait3A_423] : memref<204800x128xf32, #tpu.memory_space<hbm>> -> memref<80x128xf32, #tpu.memory_space<hbm>>
      tpu.wait_dma2 semaphore(%arg27 : memref<!tpu.dma_semaphore, #tpu.memory_space<semaphore_mem>>) src(%arg11 : memref<80x128xf32, #tpu.memory_space<vmem>>) dst(%dma_wait3A_424 : memref<80x128xf32, #tpu.memory_space<hbm>>)
      %add3A_425 = arith.constant 8 : i32
      %add3A_426 = arith.addi %add3A_417, %add3A_425 : i32
      %mul3A_427 = arith.constant 80 : i32
      %mul3A_428 = arith.muli %add3A_426, %mul3A_427 : i32
      %dma_start3A_429 = tpu.memref_slice %arg5[%mul3A_428] : memref<6400xi32, #tpu.memory_space<vmem>> -> memref<80xi32, #tpu.memory_space<vmem>>
      %dma_start3A_430 = arith.constant 0 : i32
      %dma_start3A_431 = arith.constant 0 : i32
      %dma_start3A_432 = tpu.memref_slice %arg3[%dma_start3A_430, %dma_start3A_431] : memref<100000x128xf32, #tpu.memory_space<hbm>> -> memref<100000x128xf32, #tpu.memory_space<hbm>>
      tpu.enqueue_indirect_dma source(%dma_start3A_432 : memref<100000x128xf32, #tpu.memory_space<hbm>>) target(%arg11 : memref<80x128xf32, #tpu.memory_space<vmem>>) offsets(%dma_start3A_429 : memref<80xi32, #tpu.memory_space<vmem>>) semaphore(%arg19 : memref<!tpu.dma_semaphore, #tpu.memory_space<semaphore_mem>>)
      %mul3A_433 = arith.constant 8 : i32
      %mul3A_434 = arith.muli %scan3A_182, %mul3A_433 : i32
      %add3A_435 = arith.constant 6 : i32
      %add3A_436 = arith.addi %mul3A_434, %add3A_435 : i32
      %mul3A_437 = arith.constant 80 : i32
      %mul3A_438 = arith.muli %add3A_436, %mul3A_437 : i32
      %add3A_439 = arith.addi %mul3A_2, %mul3A_438 : i32
      %dma_wait3A_440 = arith.constant 0 : i32
      %dma_wait3A_441 = tpu.memref_slice %arg4[%add3A_439, %dma_wait3A_440] : memref<204800x128xf32, #tpu.memory_space<hbm>> -> memref<80x128xf32, #tpu.memory_space<hbm>>
      %dma_wait3A_442 = arith.constant 0 : i32
      %dma_wait3A_443 = tpu.memref_slice %arg4[%add3A_439, %dma_wait3A_442] : memref<204800x128xf32, #tpu.memory_space<hbm>> -> memref<80x128xf32, #tpu.memory_space<hbm>>
      tpu.wait_dma2 semaphore(%arg28 : memref<!tpu.dma_semaphore, #tpu.memory_space<semaphore_mem>>) src(%arg12 : memref<80x128xf32, #tpu.memory_space<vmem>>) dst(%dma_wait3A_443 : memref<80x128xf32, #tpu.memory_space<hbm>>)
      %add3A_444 = arith.constant 8 : i32
      %add3A_445 = arith.addi %add3A_436, %add3A_444 : i32
      %mul3A_446 = arith.constant 80 : i32
      %mul3A_447 = arith.muli %add3A_445, %mul3A_446 : i32
      %dma_start3A_448 = tpu.memref_slice %arg5[%mul3A_447] : memref<6400xi32, #tpu.memory_space<vmem>> -> memref<80xi32, #tpu.memory_space<vmem>>
      %dma_start3A_449 = arith.constant 0 : i32
      %dma_start3A_450 = arith.constant 0 : i32
      %dma_start3A_451 = tpu.memref_slice %arg3[%dma_start3A_449, %dma_start3A_450] : memref<100000x128xf32, #tpu.memory_space<hbm>> -> memref<100000x128xf32, #tpu.memory_space<hbm>>
      tpu.enqueue_indirect_dma source(%dma_start3A_451 : memref<100000x128xf32, #tpu.memory_space<hbm>>) target(%arg12 : memref<80x128xf32, #tpu.memory_space<vmem>>) offsets(%dma_start3A_448 : memref<80xi32, #tpu.memory_space<vmem>>) semaphore(%arg20 : memref<!tpu.dma_semaphore, #tpu.memory_space<semaphore_mem>>)
      %mul3A_452 = arith.constant 8 : i32
      %mul3A_453 = arith.muli %scan3A_182, %mul3A_452 : i32
      %add3A_454 = arith.constant 7 : i32
      %add3A_455 = arith.addi %mul3A_453, %add3A_454 : i32
      %mul3A_456 = arith.constant 80 : i32
      %mul3A_457 = arith.muli %add3A_455, %mul3A_456 : i32
      %add3A_458 = arith.addi %mul3A_2, %mul3A_457 : i32
      %dma_wait3A_459 = arith.constant 0 : i32
      %dma_wait3A_460 = tpu.memref_slice %arg4[%add3A_458, %dma_wait3A_459] : memref<204800x128xf32, #tpu.memory_space<hbm>> -> memref<80x128xf32, #tpu.memory_space<hbm>>
      %dma_wait3A_461 = arith.constant 0 : i32
      %dma_wait3A_462 = tpu.memref_slice %arg4[%add3A_458, %dma_wait3A_461] : memref<204800x128xf32, #tpu.memory_space<hbm>> -> memref<80x128xf32, #tpu.memory_space<hbm>>
      tpu.wait_dma2 semaphore(%arg29 : memref<!tpu.dma_semaphore, #tpu.memory_space<semaphore_mem>>) src(%arg13 : memref<80x128xf32, #tpu.memory_space<vmem>>) dst(%dma_wait3A_462 : memref<80x128xf32, #tpu.memory_space<hbm>>)
      %add3A_463 = arith.constant 8 : i32
      %add3A_464 = arith.addi %add3A_455, %add3A_463 : i32
      %mul3A_465 = arith.constant 80 : i32
      %mul3A_466 = arith.muli %add3A_464, %mul3A_465 : i32
      %dma_start3A_467 = tpu.memref_slice %arg5[%mul3A_466] : memref<6400xi32, #tpu.memory_space<vmem>> -> memref<80xi32, #tpu.memory_space<vmem>>
      %dma_start3A_468 = arith.constant 0 : i32
      %dma_start3A_469 = arith.constant 0 : i32
      %dma_start3A_470 = tpu.memref_slice %arg3[%dma_start3A_468, %dma_start3A_469] : memref<100000x128xf32, #tpu.memory_space<hbm>> -> memref<100000x128xf32, #tpu.memory_space<hbm>>
      tpu.enqueue_indirect_dma source(%dma_start3A_470 : memref<100000x128xf32, #tpu.memory_space<hbm>>) target(%arg13 : memref<80x128xf32, #tpu.memory_space<vmem>>) offsets(%dma_start3A_467 : memref<80xi32, #tpu.memory_space<vmem>>) semaphore(%arg21 : memref<!tpu.dma_semaphore, #tpu.memory_space<semaphore_mem>>)
    }
    %scan3A_46 = arith.constant 9 : i32
    %dma_wait3A = arith.constant 5760 : i32
    %dma_wait3A_47 = tpu.memref_slice %arg5[%dma_wait3A] : memref<6400xi32, #tpu.memory_space<vmem>> -> memref<80xi32, #tpu.memory_space<vmem>>
    %dma_wait3A_48 = arith.constant 0 : i32
    %dma_wait3A_49 = arith.constant 0 : i32
    %dma_wait3A_50 = tpu.memref_slice %arg3[%dma_wait3A_48, %dma_wait3A_49] : memref<100000x128xf32, #tpu.memory_space<hbm>> -> memref<100000x128xf32, #tpu.memory_space<hbm>>
    tpu.wait_indirect_dma semaphore(%arg14 : memref<!tpu.dma_semaphore, #tpu.memory_space<semaphore_mem>>) src(%dma_wait3A_50 : memref<100000x128xf32, #tpu.memory_space<hbm>>) dst(%arg6 : memref<80x128xf32, #tpu.memory_space<vmem>>)
    %add3A_51 = arith.constant 5760 : i32
    %add3A_52 = arith.addi %mul3A_2, %add3A_51 : i32
    %dma_start3A_53 = arith.constant 0 : i32
    %dma_start3A_54 = tpu.memref_slice %arg4[%add3A_52, %dma_start3A_53] : memref<204800x128xf32, #tpu.memory_space<hbm>> -> memref<80x128xf32, #tpu.memory_space<hbm>>
    %dma_start3A_55 = arith.constant 0 : i32
    %dma_start3A_56 = tpu.memref_slice %arg4[%add3A_52, %dma_start3A_55] : memref<204800x128xf32, #tpu.memory_space<hbm>> -> memref<80x128xf32, #tpu.memory_space<hbm>>
    tpu.enqueue_dma source(%arg6 : memref<80x128xf32, #tpu.memory_space<vmem>>) target(%dma_start3A_56 : memref<80x128xf32, #tpu.memory_space<hbm>>) target_semaphore(%arg22 : memref<!tpu.dma_semaphore, #tpu.memory_space<semaphore_mem>>)
    %dma_wait3A_57 = arith.constant 5840 : i32
    %dma_wait3A_58 = tpu.memref_slice %arg5[%dma_wait3A_57] : memref<6400xi32, #tpu.memory_space<vmem>> -> memref<80xi32, #tpu.memory_space<vmem>>
    %dma_wait3A_59 = arith.constant 0 : i32
    %dma_wait3A_60 = arith.constant 0 : i32
    %dma_wait3A_61 = tpu.memref_slice %arg3[%dma_wait3A_59, %dma_wait3A_60] : memref<100000x128xf32, #tpu.memory_space<hbm>> -> memref<100000x128xf32, #tpu.memory_space<hbm>>
    tpu.wait_indirect_dma semaphore(%arg15 : memref<!tpu.dma_semaphore, #tpu.memory_space<semaphore_mem>>) src(%dma_wait3A_61 : memref<100000x128xf32, #tpu.memory_space<hbm>>) dst(%arg7 : memref<80x128xf32, #tpu.memory_space<vmem>>)
    %add3A_62 = arith.constant 5840 : i32
    %add3A_63 = arith.addi %mul3A_2, %add3A_62 : i32
    %dma_start3A_64 = arith.constant 0 : i32
    %dma_start3A_65 = tpu.memref_slice %arg4[%add3A_63, %dma_start3A_64] : memref<204800x128xf32, #tpu.memory_space<hbm>> -> memref<80x128xf32, #tpu.memory_space<hbm>>
    %dma_start3A_66 = arith.constant 0 : i32
    %dma_start3A_67 = tpu.memref_slice %arg4[%add3A_63, %dma_start3A_66] : memref<204800x128xf32, #tpu.memory_space<hbm>> -> memref<80x128xf32, #tpu.memory_space<hbm>>
    tpu.enqueue_dma source(%arg7 : memref<80x128xf32, #tpu.memory_space<vmem>>) target(%dma_start3A_67 : memref<80x128xf32, #tpu.memory_space<hbm>>) target_semaphore(%arg23 : memref<!tpu.dma_semaphore, #tpu.memory_space<semaphore_mem>>)
    %dma_wait3A_68 = arith.constant 5920 : i32
    %dma_wait3A_69 = tpu.memref_slice %arg5[%dma_wait3A_68] : memref<6400xi32, #tpu.memory_space<vmem>> -> memref<80xi32, #tpu.memory_space<vmem>>
    %dma_wait3A_70 = arith.constant 0 : i32
    %dma_wait3A_71 = arith.constant 0 : i32
    %dma_wait3A_72 = tpu.memref_slice %arg3[%dma_wait3A_70, %dma_wait3A_71] : memref<100000x128xf32, #tpu.memory_space<hbm>> -> memref<100000x128xf32, #tpu.memory_space<hbm>>
    tpu.wait_indirect_dma semaphore(%arg16 : memref<!tpu.dma_semaphore, #tpu.memory_space<semaphore_mem>>) src(%dma_wait3A_72 : memref<100000x128xf32, #tpu.memory_space<hbm>>) dst(%arg8 : memref<80x128xf32, #tpu.memory_space<vmem>>)
    %add3A_73 = arith.constant 5920 : i32
    %add3A_74 = arith.addi %mul3A_2, %add3A_73 : i32
    %dma_start3A_75 = arith.constant 0 : i32
    %dma_start3A_76 = tpu.memref_slice %arg4[%add3A_74, %dma_start3A_75] : memref<204800x128xf32, #tpu.memory_space<hbm>> -> memref<80x128xf32, #tpu.memory_space<hbm>>
    %dma_start3A_77 = arith.constant 0 : i32
    %dma_start3A_78 = tpu.memref_slice %arg4[%add3A_74, %dma_start3A_77] : memref<204800x128xf32, #tpu.memory_space<hbm>> -> memref<80x128xf32, #tpu.memory_space<hbm>>
    tpu.enqueue_dma source(%arg8 : memref<80x128xf32, #tpu.memory_space<vmem>>) target(%dma_start3A_78 : memref<80x128xf32, #tpu.memory_space<hbm>>) target_semaphore(%arg24 : memref<!tpu.dma_semaphore, #tpu.memory_space<semaphore_mem>>)
    %dma_wait3A_79 = arith.constant 6000 : i32
    %dma_wait3A_80 = tpu.memref_slice %arg5[%dma_wait3A_79] : memref<6400xi32, #tpu.memory_space<vmem>> -> memref<80xi32, #tpu.memory_space<vmem>>
    %dma_wait3A_81 = arith.constant 0 : i32
    %dma_wait3A_82 = arith.constant 0 : i32
    %dma_wait3A_83 = tpu.memref_slice %arg3[%dma_wait3A_81, %dma_wait3A_82] : memref<100000x128xf32, #tpu.memory_space<hbm>> -> memref<100000x128xf32, #tpu.memory_space<hbm>>
    tpu.wait_indirect_dma semaphore(%arg17 : memref<!tpu.dma_semaphore, #tpu.memory_space<semaphore_mem>>) src(%dma_wait3A_83 : memref<100000x128xf32, #tpu.memory_space<hbm>>) dst(%arg9 : memref<80x128xf32, #tpu.memory_space<vmem>>)
    %add3A_84 = arith.constant 6000 : i32
    %add3A_85 = arith.addi %mul3A_2, %add3A_84 : i32
    %dma_start3A_86 = arith.constant 0 : i32
    %dma_start3A_87 = tpu.memref_slice %arg4[%add3A_85, %dma_start3A_86] : memref<204800x128xf32, #tpu.memory_space<hbm>> -> memref<80x128xf32, #tpu.memory_space<hbm>>
    %dma_start3A_88 = arith.constant 0 : i32
    %dma_start3A_89 = tpu.memref_slice %arg4[%add3A_85, %dma_start3A_88] : memref<204800x128xf32, #tpu.memory_space<hbm>> -> memref<80x128xf32, #tpu.memory_space<hbm>>
    tpu.enqueue_dma source(%arg9 : memref<80x128xf32, #tpu.memory_space<vmem>>) target(%dma_start3A_89 : memref<80x128xf32, #tpu.memory_space<hbm>>) target_semaphore(%arg25 : memref<!tpu.dma_semaphore, #tpu.memory_space<semaphore_mem>>)
    %dma_wait3A_90 = arith.constant 6080 : i32
    %dma_wait3A_91 = tpu.memref_slice %arg5[%dma_wait3A_90] : memref<6400xi32, #tpu.memory_space<vmem>> -> memref<80xi32, #tpu.memory_space<vmem>>
    %dma_wait3A_92 = arith.constant 0 : i32
    %dma_wait3A_93 = arith.constant 0 : i32
    %dma_wait3A_94 = tpu.memref_slice %arg3[%dma_wait3A_92, %dma_wait3A_93] : memref<100000x128xf32, #tpu.memory_space<hbm>> -> memref<100000x128xf32, #tpu.memory_space<hbm>>
    tpu.wait_indirect_dma semaphore(%arg18 : memref<!tpu.dma_semaphore, #tpu.memory_space<semaphore_mem>>) src(%dma_wait3A_94 : memref<100000x128xf32, #tpu.memory_space<hbm>>) dst(%arg10 : memref<80x128xf32, #tpu.memory_space<vmem>>)
    %add3A_95 = arith.constant 6080 : i32
    %add3A_96 = arith.addi %mul3A_2, %add3A_95 : i32
    %dma_start3A_97 = arith.constant 0 : i32
    %dma_start3A_98 = tpu.memref_slice %arg4[%add3A_96, %dma_start3A_97] : memref<204800x128xf32, #tpu.memory_space<hbm>> -> memref<80x128xf32, #tpu.memory_space<hbm>>
    %dma_start3A_99 = arith.constant 0 : i32
    %dma_start3A_100 = tpu.memref_slice %arg4[%add3A_96, %dma_start3A_99] : memref<204800x128xf32, #tpu.memory_space<hbm>> -> memref<80x128xf32, #tpu.memory_space<hbm>>
    tpu.enqueue_dma source(%arg10 : memref<80x128xf32, #tpu.memory_space<vmem>>) target(%dma_start3A_100 : memref<80x128xf32, #tpu.memory_space<hbm>>) target_semaphore(%arg26 : memref<!tpu.dma_semaphore, #tpu.memory_space<semaphore_mem>>)
    %dma_wait3A_101 = arith.constant 6160 : i32
    %dma_wait3A_102 = tpu.memref_slice %arg5[%dma_wait3A_101] : memref<6400xi32, #tpu.memory_space<vmem>> -> memref<80xi32, #tpu.memory_space<vmem>>
    %dma_wait3A_103 = arith.constant 0 : i32
    %dma_wait3A_104 = arith.constant 0 : i32
    %dma_wait3A_105 = tpu.memref_slice %arg3[%dma_wait3A_103, %dma_wait3A_104] : memref<100000x128xf32, #tpu.memory_space<hbm>> -> memref<100000x128xf32, #tpu.memory_space<hbm>>
    tpu.wait_indirect_dma semaphore(%arg19 : memref<!tpu.dma_semaphore, #tpu.memory_space<semaphore_mem>>) src(%dma_wait3A_105 : memref<100000x128xf32, #tpu.memory_space<hbm>>) dst(%arg11 : memref<80x128xf32, #tpu.memory_space<vmem>>)
    %add3A_106 = arith.constant 6160 : i32
    %add3A_107 = arith.addi %mul3A_2, %add3A_106 : i32
    %dma_start3A_108 = arith.constant 0 : i32
    %dma_start3A_109 = tpu.memref_slice %arg4[%add3A_107, %dma_start3A_108] : memref<204800x128xf32, #tpu.memory_space<hbm>> -> memref<80x128xf32, #tpu.memory_space<hbm>>
    %dma_start3A_110 = arith.constant 0 : i32
    %dma_start3A_111 = tpu.memref_slice %arg4[%add3A_107, %dma_start3A_110] : memref<204800x128xf32, #tpu.memory_space<hbm>> -> memref<80x128xf32, #tpu.memory_space<hbm>>
    tpu.enqueue_dma source(%arg11 : memref<80x128xf32, #tpu.memory_space<vmem>>) target(%dma_start3A_111 : memref<80x128xf32, #tpu.memory_space<hbm>>) target_semaphore(%arg27 : memref<!tpu.dma_semaphore, #tpu.memory_space<semaphore_mem>>)
    %dma_wait3A_112 = arith.constant 6240 : i32
    %dma_wait3A_113 = tpu.memref_slice %arg5[%dma_wait3A_112] : memref<6400xi32, #tpu.memory_space<vmem>> -> memref<80xi32, #tpu.memory_space<vmem>>
    %dma_wait3A_114 = arith.constant 0 : i32
    %dma_wait3A_115 = arith.constant 0 : i32
    %dma_wait3A_116 = tpu.memref_slice %arg3[%dma_wait3A_114, %dma_wait3A_115] : memref<100000x128xf32, #tpu.memory_space<hbm>> -> memref<100000x128xf32, #tpu.memory_space<hbm>>
    tpu.wait_indirect_dma semaphore(%arg20 : memref<!tpu.dma_semaphore, #tpu.memory_space<semaphore_mem>>) src(%dma_wait3A_116 : memref<100000x128xf32, #tpu.memory_space<hbm>>) dst(%arg12 : memref<80x128xf32, #tpu.memory_space<vmem>>)
    %add3A_117 = arith.constant 6240 : i32
    %add3A_118 = arith.addi %mul3A_2, %add3A_117 : i32
    %dma_start3A_119 = arith.constant 0 : i32
    %dma_start3A_120 = tpu.memref_slice %arg4[%add3A_118, %dma_start3A_119] : memref<204800x128xf32, #tpu.memory_space<hbm>> -> memref<80x128xf32, #tpu.memory_space<hbm>>
    %dma_start3A_121 = arith.constant 0 : i32
    %dma_start3A_122 = tpu.memref_slice %arg4[%add3A_118, %dma_start3A_121] : memref<204800x128xf32, #tpu.memory_space<hbm>> -> memref<80x128xf32, #tpu.memory_space<hbm>>
    tpu.enqueue_dma source(%arg12 : memref<80x128xf32, #tpu.memory_space<vmem>>) target(%dma_start3A_122 : memref<80x128xf32, #tpu.memory_space<hbm>>) target_semaphore(%arg28 : memref<!tpu.dma_semaphore, #tpu.memory_space<semaphore_mem>>)
    %dma_wait3A_123 = arith.constant 6320 : i32
    %dma_wait3A_124 = tpu.memref_slice %arg5[%dma_wait3A_123] : memref<6400xi32, #tpu.memory_space<vmem>> -> memref<80xi32, #tpu.memory_space<vmem>>
    %dma_wait3A_125 = arith.constant 0 : i32
    %dma_wait3A_126 = arith.constant 0 : i32
    %dma_wait3A_127 = tpu.memref_slice %arg3[%dma_wait3A_125, %dma_wait3A_126] : memref<100000x128xf32, #tpu.memory_space<hbm>> -> memref<100000x128xf32, #tpu.memory_space<hbm>>
    tpu.wait_indirect_dma semaphore(%arg21 : memref<!tpu.dma_semaphore, #tpu.memory_space<semaphore_mem>>) src(%dma_wait3A_127 : memref<100000x128xf32, #tpu.memory_space<hbm>>) dst(%arg13 : memref<80x128xf32, #tpu.memory_space<vmem>>)
    %add3A_128 = arith.constant 6320 : i32
    %add3A_129 = arith.addi %mul3A_2, %add3A_128 : i32
    %dma_start3A_130 = arith.constant 0 : i32
    %dma_start3A_131 = tpu.memref_slice %arg4[%add3A_129, %dma_start3A_130] : memref<204800x128xf32, #tpu.memory_space<hbm>> -> memref<80x128xf32, #tpu.memory_space<hbm>>
    %dma_start3A_132 = arith.constant 0 : i32
    %dma_start3A_133 = tpu.memref_slice %arg4[%add3A_129, %dma_start3A_132] : memref<204800x128xf32, #tpu.memory_space<hbm>> -> memref<80x128xf32, #tpu.memory_space<hbm>>
    tpu.enqueue_dma source(%arg13 : memref<80x128xf32, #tpu.memory_space<vmem>>) target(%dma_start3A_133 : memref<80x128xf32, #tpu.memory_space<hbm>>) target_semaphore(%arg29 : memref<!tpu.dma_semaphore, #tpu.memory_space<semaphore_mem>>)
    %add3A_134 = arith.constant 5760 : i32
    %add3A_135 = arith.addi %mul3A_2, %add3A_134 : i32
    %dma_wait3A_136 = arith.constant 0 : i32
    %dma_wait3A_137 = tpu.memref_slice %arg4[%add3A_135, %dma_wait3A_136] : memref<204800x128xf32, #tpu.memory_space<hbm>> -> memref<80x128xf32, #tpu.memory_space<hbm>>
    %dma_wait3A_138 = arith.constant 0 : i32
    %dma_wait3A_139 = tpu.memref_slice %arg4[%add3A_135, %dma_wait3A_138] : memref<204800x128xf32, #tpu.memory_space<hbm>> -> memref<80x128xf32, #tpu.memory_space<hbm>>
    tpu.wait_dma2 semaphore(%arg22 : memref<!tpu.dma_semaphore, #tpu.memory_space<semaphore_mem>>) src(%arg6 : memref<80x128xf32, #tpu.memory_space<vmem>>) dst(%dma_wait3A_139 : memref<80x128xf32, #tpu.memory_space<hbm>>)
    %add3A_140 = arith.constant 5840 : i32
    %add3A_141 = arith.addi %mul3A_2, %add3A_140 : i32
    %dma_wait3A_142 = arith.constant 0 : i32
    %dma_wait3A_143 = tpu.memref_slice %arg4[%add3A_141, %dma_wait3A_142] : memref<204800x128xf32, #tpu.memory_space<hbm>> -> memref<80x128xf32, #tpu.memory_space<hbm>>
    %dma_wait3A_144 = arith.constant 0 : i32
    %dma_wait3A_145 = tpu.memref_slice %arg4[%add3A_141, %dma_wait3A_144] : memref<204800x128xf32, #tpu.memory_space<hbm>> -> memref<80x128xf32, #tpu.memory_space<hbm>>
    tpu.wait_dma2 semaphore(%arg23 : memref<!tpu.dma_semaphore, #tpu.memory_space<semaphore_mem>>) src(%arg7 : memref<80x128xf32, #tpu.memory_space<vmem>>) dst(%dma_wait3A_145 : memref<80x128xf32, #tpu.memory_space<hbm>>)
    %add3A_146 = arith.constant 5920 : i32
    %add3A_147 = arith.addi %mul3A_2, %add3A_146 : i32
    %dma_wait3A_148 = arith.constant 0 : i32
    %dma_wait3A_149 = tpu.memref_slice %arg4[%add3A_147, %dma_wait3A_148] : memref<204800x128xf32, #tpu.memory_space<hbm>> -> memref<80x128xf32, #tpu.memory_space<hbm>>
    %dma_wait3A_150 = arith.constant 0 : i32
    %dma_wait3A_151 = tpu.memref_slice %arg4[%add3A_147, %dma_wait3A_150] : memref<204800x128xf32, #tpu.memory_space<hbm>> -> memref<80x128xf32, #tpu.memory_space<hbm>>
    tpu.wait_dma2 semaphore(%arg24 : memref<!tpu.dma_semaphore, #tpu.memory_space<semaphore_mem>>) src(%arg8 : memref<80x128xf32, #tpu.memory_space<vmem>>) dst(%dma_wait3A_151 : memref<80x128xf32, #tpu.memory_space<hbm>>)
    %add3A_152 = arith.constant 6000 : i32
    %add3A_153 = arith.addi %mul3A_2, %add3A_152 : i32
    %dma_wait3A_154 = arith.constant 0 : i32
    %dma_wait3A_155 = tpu.memref_slice %arg4[%add3A_153, %dma_wait3A_154] : memref<204800x128xf32, #tpu.memory_space<hbm>> -> memref<80x128xf32, #tpu.memory_space<hbm>>
    %dma_wait3A_156 = arith.constant 0 : i32
    %dma_wait3A_157 = tpu.memref_slice %arg4[%add3A_153, %dma_wait3A_156] : memref<204800x128xf32, #tpu.memory_space<hbm>> -> memref<80x128xf32, #tpu.memory_space<hbm>>
    tpu.wait_dma2 semaphore(%arg25 : memref<!tpu.dma_semaphore, #tpu.memory_space<semaphore_mem>>) src(%arg9 : memref<80x128xf32, #tpu.memory_space<vmem>>) dst(%dma_wait3A_157 : memref<80x128xf32, #tpu.memory_space<hbm>>)
    %add3A_158 = arith.constant 6080 : i32
    %add3A_159 = arith.addi %mul3A_2, %add3A_158 : i32
    %dma_wait3A_160 = arith.constant 0 : i32
    %dma_wait3A_161 = tpu.memref_slice %arg4[%add3A_159, %dma_wait3A_160] : memref<204800x128xf32, #tpu.memory_space<hbm>> -> memref<80x128xf32, #tpu.memory_space<hbm>>
    %dma_wait3A_162 = arith.constant 0 : i32
    %dma_wait3A_163 = tpu.memref_slice %arg4[%add3A_159, %dma_wait3A_162] : memref<204800x128xf32, #tpu.memory_space<hbm>> -> memref<80x128xf32, #tpu.memory_space<hbm>>
    tpu.wait_dma2 semaphore(%arg26 : memref<!tpu.dma_semaphore, #tpu.memory_space<semaphore_mem>>) src(%arg10 : memref<80x128xf32, #tpu.memory_space<vmem>>) dst(%dma_wait3A_163 : memref<80x128xf32, #tpu.memory_space<hbm>>)
    %add3A_164 = arith.constant 6160 : i32
    %add3A_165 = arith.addi %mul3A_2, %add3A_164 : i32
    %dma_wait3A_166 = arith.constant 0 : i32
    %dma_wait3A_167 = tpu.memref_slice %arg4[%add3A_165, %dma_wait3A_166] : memref<204800x128xf32, #tpu.memory_space<hbm>> -> memref<80x128xf32, #tpu.memory_space<hbm>>
    %dma_wait3A_168 = arith.constant 0 : i32
    %dma_wait3A_169 = tpu.memref_slice %arg4[%add3A_165, %dma_wait3A_168] : memref<204800x128xf32, #tpu.memory_space<hbm>> -> memref<80x128xf32, #tpu.memory_space<hbm>>
    tpu.wait_dma2 semaphore(%arg27 : memref<!tpu.dma_semaphore, #tpu.memory_space<semaphore_mem>>) src(%arg11 : memref<80x128xf32, #tpu.memory_space<vmem>>) dst(%dma_wait3A_169 : memref<80x128xf32, #tpu.memory_space<hbm>>)
    %add3A_170 = arith.constant 6240 : i32
    %add3A_171 = arith.addi %mul3A_2, %add3A_170 : i32
    %dma_wait3A_172 = arith.constant 0 : i32
    %dma_wait3A_173 = tpu.memref_slice %arg4[%add3A_171, %dma_wait3A_172] : memref<204800x128xf32, #tpu.memory_space<hbm>> -> memref<80x128xf32, #tpu.memory_space<hbm>>
    %dma_wait3A_174 = arith.constant 0 : i32
    %dma_wait3A_175 = tpu.memref_slice %arg4[%add3A_171, %dma_wait3A_174] : memref<204800x128xf32, #tpu.memory_space<hbm>> -> memref<80x128xf32, #tpu.memory_space<hbm>>
    tpu.wait_dma2 semaphore(%arg28 : memref<!tpu.dma_semaphore, #tpu.memory_space<semaphore_mem>>) src(%arg12 : memref<80x128xf32, #tpu.memory_space<vmem>>) dst(%dma_wait3A_175 : memref<80x128xf32, #tpu.memory_space<hbm>>)
    %add3A_176 = arith.constant 6320 : i32
    %add3A_177 = arith.addi %mul3A_2, %add3A_176 : i32
    %dma_wait3A_178 = arith.constant 0 : i32
    %dma_wait3A_179 = tpu.memref_slice %arg4[%add3A_177, %dma_wait3A_178] : memref<204800x128xf32, #tpu.memory_space<hbm>> -> memref<80x128xf32, #tpu.memory_space<hbm>>
    %dma_wait3A_180 = arith.constant 0 : i32
    %dma_wait3A_181 = tpu.memref_slice %arg4[%add3A_177, %dma_wait3A_180] : memref<204800x128xf32, #tpu.memory_space<hbm>> -> memref<80x128xf32, #tpu.memory_space<hbm>>
    tpu.wait_dma2 semaphore(%arg29 : memref<!tpu.dma_semaphore, #tpu.memory_space<semaphore_mem>>) src(%arg13 : memref<80x128xf32, #tpu.memory_space<vmem>>) dst(%dma_wait3A_181 : memref<80x128xf32, #tpu.memory_space<hbm>>)
    return
  }
}

</mosaic_0001>

<sc_bundles>
// kernel: kernel.3.cloned.1.call-start
scs
__scs_entry_jumppad:
0x0: {  	(pc) =	sbr.rel $0x88, $3  }
0x1: {  	(tag) =	ssettag $0x0;
	lr =	simm.s32 $0x1  }
0x2: {  	[smem:$0x3F9F] =	sst lr;
	_ =	strace $0xD0000000  }
0x3: {  	_ = 	snop  }
0x4: {  	_ = 	snop  }
0x5: {  	_ = 	snop  }
0x6: {  	_ = 	snop  }
0x7: {  	_ = 	snop  }
__scs_overlays_trampoline_lowered:
0x8: {  	[smem:$0x3FAE] =	sst s0  }
0x9: {  	[smem:$0x3FAF] =	sst s1  }
0xa: {  	[smem:$0x3FB0] =	sst s2  }
0xb: {  	[smem:$0x3FB1] =	sst s3  }
0xc: {  	[smem:$0x3FB2] =	sst s4  }
0xd: {  	[smem:$0x3FB3] =	sst s5  }
0xe: {  	[smem:$0x3FB4] =	sst s6  }
0xf: {  	[smem:$0x3FB5] =	sst s7  }
0x10: {  	[smem:$0x3FB6] =	sst s8  }
0x11: {  	[smem:$0x3FB7] =	sst s9;
	s0 =	simm.s32 @!p0 $0x0  }
0x12: {  	s1 =	sld [smem:$0x3F9D];
	s0 =	simm.s32 @p0 $0x1  }
0x13: {  	[smem:$0x3FB8] =	sst s0;
	s0 =	simm.s32 @!p1 $0x0  }
0x14: {  	s2 =	sld [smem:$0x3F9C];
	s0 =	simm.s32 @p1 $0x1  }
0x15: {  	[smem:$0x3FB9] =	sst s0;
	s0 =	simm.s32 @!p2 $0x0  }
0x16: {  	s3 =	sld [smem:$0x3FDB];
	s0 =	simm.s32 @p2 $0x1  }
0x17: {  	s4 =	simm.s32 $0x1BF5;
	[smem:$0x3FBB] =	sst s0  }
0x18: {  	s0 =	sld [smem:$0x3F9E];
	_ =	swait.ge [sflag:s4], $0x0  }
0x19: {  	s7 =	sld [smem:$0x3F9F]  }
0x1a: {  	s8 =	sadd.s32 $0xFFFFE003, lr  }
0x1b: {  	s9 =	sadd.s32 $0xFFFFFEF7, lr;
	s5 =	simm.s32 $0xFFFFFFFF;
	p2 =	slt.u32 s8, $0xFFFFF086  }
0x1c: {  	p1 =	slt.u32 s9, $0xF7A;
	s5 =	simm.s32 @!p2 $0x0  }
0x1d: {  	s5 =	simm.s32 @p1 $0x1;
	p0 =	seq.s32 s7, s2  }
0x1e: {  	s7 =	smul.u32 @!p0 $0xF7A, s2;
	p2 =	seq.s32 @!p0 s5, $0x0  }
0x1f: {  	s9 =	smul.u32 $0xF7A, s1;
	s8 =	simm.s32 @!p0 $0x1BF5;
	p2 =	por !p2, p0  }
0x20: {  	[sflag:s8] =	ssyncset.s32 @!p0 $0xFFFFF086;
	s6 =	sadd.s32 @!p0 s3, s7;
	s7 =	simm.s32 @!p0 $0x108  }
0x21: {  	s3 =	sadd.s32 s3, s9;
	s6 =	sadd.s32 @!p0 $0x88, s6;
	s7 =	simm.s32 @p2 $0x1082  }
0x22: {  	[simem:s7], [sflag:s8] =	dma.local @!p0 [hbm:s6], $0xF7A  }
0x23: {  	s9 =	sor.u32 $0xD0000000, s2;
	s6 =	simm.s32 $0x108;
	_ =	swait.ge @!p0 [sflag:s8], $0x0  }
0x24: {  	s3 =	sadd.s32 $0x88, s3;
	s6 =	simm.s32 @!p1 $0x1082;
	[sflag:s4] =	ssyncset.s32 $0xFFFFF086  }
0x25: {  	[simem:s6], [sflag:s4] =	dma.local [hbm:s3], $0xF7A  }
0x26: {  	[smem:$0x3F9F] =	sst s1;
	(tag) =	ssettag s2;
	_ =	strace s9  }
0x27: {  	s1 =	sld [smem:$0x3FAF]  }
0x28: {  	s2 =	sld [smem:$0x3FB0]  }
0x29: {  	s4 =	sld [smem:$0x3FB2]  }
0x2a: {  	p0 =	seq.s32 s5, $0x0;
	s5 =	sld [smem:$0x3FB3]  }
0x2b: {  	s6 =	sld [smem:$0x3FB4]  }
0x2c: {  	s7 =	sld [smem:$0x3FB5]  }
0x2d: {  	s3 =	simm.s32 $0x108;
	s8 =	sld [smem:$0x3FB6]  }
0x2e: {  	s3 =	simm.s32 @!p0 $0x1082;
	s9 =	sld [smem:$0x3FB7]  }
0x2f: {  	lr =	sadd.s32 s0, s3;
	s0 =	sld [smem:$0x3FAE]  }
0x30: {  	s3 =	sld [smem:$0x3FB1]  }
0x31: {  	[smem:$0x3FBA] =	sst s10  }
0x32: {  	s10 =	sld [smem:$0x3FB8];
	_ =	sdelay $0x3  }
0x33: {  	p0 =	seq.s32 s10, $0x1;
	s10 =	sld [smem:$0x3FBA];
	_ =	sdelay $0x3  }
0x34: {  	[smem:$0x3FBA] =	sst s10  }
0x35: {  	s10 =	sld [smem:$0x3FB9];
	_ =	sdelay $0x3  }
0x36: {  	p1 =	seq.s32 s10, $0x1;
	s10 =	sld [smem:$0x3FBA];
	_ =	sdelay $0x3  }
0x37: {  	[smem:$0x3FBA] =	sst s10  }
0x38: {  	s10 =	sld [smem:$0x3FBB]  }
0x39: {  	_ = 	snop;
	(pc) =	sbr.ind lr, $3  }
0x3a: {  	_ = 	snop  }
0x3b: {  	_ = 	snop  }
0x3c: {  	p2 =	seq.s32 s10, $0x1;
	s10 =	sld [smem:$0x3FBA]  }
0x3d: {  	_ =	shalt  }
0x3e: {  	_ =	shalt  }
0x3f: {  	_ =	shalt  }
0x40: {  	_ =	shalt  }
0x41: {  	_ =	shalt  }
0x42: {  	_ =	shalt  }
0x43: {  	_ =	shalt  }
0x44: {  	_ =	shalt  }
0x45: {  	_ =	shalt  }
0x46: {  	_ =	shalt  }
0x47: {  	_ =	shalt  }
0x48: {  	_ =	shalt  }
0x49: {  	_ =	shalt  }
0x4a: {  	_ =	shalt  }
0x4b: {  	_ =	shalt  }
0x4c: {  	_ =	shalt  }
0x4d: {  	_ =	shalt  }
0x4e: {  	_ =	shalt  }
0x4f: {  	_ =	shalt  }
0x50: {  	_ =	shalt  }
0x51: {  	_ =	shalt  }
0x52: {  	_ =	shalt  }
0x53: {  	_ =	shalt  }
0x54: {  	_ =	shalt  }
0x55: {  	_ =	shalt  }
0x56: {  	_ =	shalt  }
0x57: {  	_ =	shalt  }
0x58: {  	_ =	shalt  }
0x59: {  	_ =	shalt  }
0x5a: {  	_ =	shalt  }
0x5b: {  	_ =	shalt  }
0x5c: {  	_ =	shalt  }
0x5d: {  	_ =	shalt  }
0x5e: {  	_ =	shalt  }
0x5f: {  	_ =	shalt  }
0x60: {  	_ =	shalt  }
0x61: {  	_ =	shalt  }
0x62: {  	_ =	shalt  }
0x63: {  	_ =	shalt  }
0x64: {  	_ =	shalt  }
0x65: {  	_ =	shalt  }
0x66: {  	_ =	shalt  }
0x67: {  	_ =	shalt  }
0x68: {  	_ =	shalt  }
0x69: {  	_ =	shalt  }
0x6a: {  	_ =	shalt  }
0x6b: {  	_ =	shalt  }
0x6c: {  	_ =	shalt  }
0x6d: {  	_ =	shalt  }
0x6e: {  	_ =	shalt  }
0x6f: {  	_ =	shalt  }
0x70: {  	_ =	shalt  }
0x71: {  	_ =	shalt  }
0x72: {  	_ =	shalt  }
0x73: {  	_ =	shalt  }
0x74: {  	_ =	shalt  }
0x75: {  	_ =	shalt  }
0x76: {  	_ =	shalt  }
0x77: {  	_ =	shalt  }
0x78: {  	_ =	shalt  }
0x79: {  	_ =	shalt  }
0x7a: {  	_ =	shalt  }
0x7b: {  	_ =	shalt  }
0x7c: {  	_ =	shalt  }
0x7d: {  	_ =	shalt  }
0x7e: {  	_ =	shalt  }
0x7f: {  	_ =	shalt  }
0x80: {  	_ =	shalt  }
0x81: {  	_ =	shalt  }
0x82: {  	_ =	shalt  }
0x83: {  	_ =	shalt  }
0x84: {  	_ =	shalt  }
0x85: {  	_ =	shalt  }
0x86: {  	_ =	shalt  }
0x87: {  	_ =	shalt  }
.Lfunc_end0:
.L_simem_size_0:
called_computation_lowered:
.L_overlay_start_0:
0x88: {  	s2 =	sld [smem:$0x3FD9]  }
0x89: {  	s3 =	sld [smem:$0x3FFE];
	_ =	sdelay $0x1  }
0x8a: {  	s1 =	srdreg.scid  }
0x8b: {  	s0 =	sand.u32 $0x1, s1  }
0x8c: {  	s17 =	sshll.u32 s0, $0xA;
	s2 =	sadd.s32 s3, s2  }
0x8d: {  	s2 =	sadd.s32 s2, s17  }
0x8e: {  	[smem:$0x3FC6] =	sst s2  }
0x8f: {  	_ = 	snop  }
0x90: {  	s2 =	sld [smem:$0x3FC8]  }
0x91: {  	s18 =	sld [smem:$0x3FD0];
	(tm) =	ssettm $0x1  }
0x92: {  	s4 =	sld [smem:$0x3FFB];
	_ =	sdelay $0x3  }
0x93: {  	_ =	strace s4  }
0x94: {  	s4 =	sld [smem:$0x3FFC];
	_ =	sdelay $0x3  }
0x95: {  	_ =	strace s4  }
0x96: {  	s4 =	sld [smem:$0x3FFD];
	_ =	sdelay $0x3  }
0x97: {  	_ =	strace s4  }
0x98: {  	_ =	strace $0x8FFFFFFF  }
0x99: {  	s19 =	sld [smem:$0x3FDB];
	_ =	sdelay $0x1  }
0x9a: {  	s5 =	simm.s32 $_scs_section_size  }
0x9b: {  	s6 =	simm.s32 $_size__tile_overlayer_lowered;
	s7 =	simm.s32 $_tile_overlayer_lowered  }
0x9c: {  	s22 =	simm.s32 $0x1BFF;
	s21 =	sshll.u32 s7, $0x1;
	s4 =	sadd.s32 s5, s19  }
0x9d: {  	s8 =	simm.s32 $0x0;
	s20 =	sshll.u32 s6, $0x1;
	s6 =	sadd.s32 s21, s4  }
0x9e: {  	[timem:s8], [sflag:s22] =	dma.local [hbm:s6], s20  }
0x9f: {  	_ =	swait.ge [sflag:s22], s20  }
0xa0: {  	s5 =	ssub.s32 $0x0, s20;
	[sflag:s22] =	ssyncset.done $0x0  }
0xa1: {  	[sflag:s22] =	ssyncadd.s32 s5;
	_ =	sdelay $0x1  }
0xa2: {  	s23 =	simm.s32 $0x1B8B  }
0xa3: {  	_ =	swait.ge [sflag:s23], $0x1  }
0xa4: {  	[sflag:s23] =	ssyncset.done $0x0  }
0xa5: {  	s25 =	simm.s32 $0x1B8E;
	s24 =	sld [smem:$0x3FFE];
	[sflag:s23] =	ssyncadd.s32 $0xFFFFFFFF  }
0xa6: {  	s26 =	simm.s32 $execute0_lowered;
	[smem:$0x3FD2] =	sst s25  }
0xa7: {  	s6 =	sshll.u32 s26, $0x1;
	_ =	strace $0x80000046;
	[dreg:$0x1] =	wrdreg $0xFFFFFFFF  }
0xa8: {  	s28 =	simm.s32 $_size_execute0_lowered;
	s4 =	sadd.s32 s4, s6;
	[dreg:$0x0] =	wrdreg $0x0  }
0xa9: {  	s6 =	sshll.u32 s28, $0x1;
	[dreg:$0x2] =	wrdreg s4  }
0xaa: {  	[dreg:$0x3] =	wrdreg s6  }
0xab: {  	[dreg:$0x4] =	wrdreg $0xC0  }
0xac: {  	_ =	task [dreg:s8], $0x5FFFF  }
0xad: {  	[dreg:$0x1] =	wrdreg $0xFFFFFFFF  }
0xae: {  	[dreg:$0x0] =	wrdreg $0x60  }
0xaf: {  	[dreg:$0x2] =	wrdreg s24  }
0xb0: {  	[dreg:$0x3] =	wrdreg s2  }
0xb1: {  	[dreg:$0x4] =	wrdreg s18  }
0xb2: {  	[dreg:$0x5] =	wrdreg $0x9  }
0xb3: {  	_ =	task.clear_ibuf [dreg:s8], $0x6FFFF;
	_ =	strace $0x90000046  }
0xb4: {  	s29 =	simm.s32 $0x9;
	_ =	strace $0x80000048  }
0xb5: {  	_ =	swait.ge [sflag:s29], $0x1  }
0xb6: {  	[sflag:s29] =	ssyncadd.s32 $0xFFFFFFFF  }
0xb7: {  	_ =	strace $0x90000048  }
0xb8: {  	_ =	sfence  }
0xb9: {  	s30 =	sld [smem:$0x0];
	_ =	sdelay $0x2  }
0xba: {  	s31 =	sshll.u32 s1, $0xD;
	s1 =	sshrl.u32 s1, $0x2  }
0xbb: {  	s3 =	sand.u32 $0x4000, s31;
	s1 =	sadd.s32 s1, s30  }
0xbc: {  	s0 =	sor.u32 s3, s0;
	s1 =	sshll.u32 s1, $0x11  }
0xbd: {  	s0 =	sor.u32 s1, s0  }
0xbe: {  	s0 =	sadd.s32 $0x8F2B, s0  }
0xbf: {  	[sflag:s0] =	ssyncadd.remote.s32 $0x1  }
0xc0: {  	_ =	sfence.sel $0xFFFF  }
0xc1: {  	[dreg:$0x0] =	wrdreg $0xFFFFFFFF;
	(pc) =	sbr.abs _section_cstart, $3  }
0xc2: {  	[dreg:$0x1] =	wrdreg $0xFFFFFFFF  }
0xc3: {  	_ =	task.clear_ibuf [dreg:s8], $0x2FFFF;
	_ =	strace $0x9FFFFFFF  }
0xc4: {  	(tm) =	ssettm $0x7FFFFFFF  }
0xc5: {  	_ =	shalt  }
tec
execute0_lowered:
.L_overlay_start_1:
0x0: {  	(tag) =	ssettag $0x1  }
0x1: {  	s0 =	rddreg [dreg:$0x0]  }
0x2: {  	s1 =	srdreg.scid;
	s2 =	rddreg [dreg:$0x1]  }
0x3: {  	s9 =	stileid.u32;
	s4 =	rddreg [dreg:$0x2];
	s29 =	simm.s32 $0x10900  }
0x4: {  	s31 =	simm.s32 $0x13100;
	s28 =	simm.s32 $0x7;
	s30 =	simm.s32 $0x8  }
0x5: {  	s10 =	simm.s32 $0xF;
	s1 =	sand.u32 $0x1, s1;
	s3 =	sshll.u32 s9, $0x1  }
0x6: {  	s11 =	simm.s32 $0x10;
	s13 =	simm.s32 $0x0;
	s5 =	sor.u32 s1, s3  }
0x7: {  	s3 =	simm.s32 $0x0;
	s7 =	ssub.s32 $0x2, s1;
	s6 =	smul.u32 $0x1900, s5  }
0x8: {  	[smem:$0x7FF] =	sst s3;
	s5 =	smul.u32 $0xC8000, s5;
	s8 =	sshrl.u32 s7, $0x1  }
0x9: {  	_ =	strace $0x80000047;
	s16 =	ssub.s32 s7, s8;
	s6 =	sshrl.u32 s6, $0x3  }
0xa: {  	s5 =	sshrl.u32 s5, $0x3;
	s26 =	smax.u32 s16, $0x1;
	s0 =	sadd.s32 s6, s0  }
0xb: {  	s5 =	sadd.s32 s4, s5;
	[dreg:$0xd] =	wrdreg s26;
	s0 =	sadd.s32 $0x400, s0  }
0xc: {  	s18 =	smul.u32 $0x32000, s9;
	s17 =	sadd.s32 $0x16800, s5;
	[dreg:$0x4] =	wrdreg s0  }
0xd: {  	s9 =	simm.s32 $0xE;
	s19 =	sadd.s32 $0x16D00, s5;
	[dreg:$0x5] =	wrdreg s17  }
0xe: {  	s1 =	smul.u32 $0x19000, s1;
	s20 =	sadd.s32 $0x17200, s5;
	[dreg:$0x6] =	wrdreg s19  }
0xf: {  	s7 =	simm.s32 $0xC;
	s21 =	sadd.s32 $0x17700, s5;
	[dreg:$0x7] =	wrdreg s20  }
0x10: {  	s8 =	simm.s32 $0xD;
	s22 =	sadd.s32 $0x17C00, s5;
	[dreg:$0x8] =	wrdreg s21  }
0x11: {  	s16 =	simm.s32 $0x50;
	s23 =	sadd.s32 $0x18100, s5;
	[dreg:$0x9] =	wrdreg s22  }
0x12: {  	s26 =	simm.s32 $0xE100;
	s24 =	sadd.s32 $0x18600, s5;
	[dreg:$0xa] =	wrdreg s23  }
0x13: {  	s6 =	simm.s32 $0xB;
	s25 =	sadd.s32 $0x18B00, s5;
	[dreg:$0xb] =	wrdreg s24  }
0x14: {  	s5 =	simm.s32 $0xA;
	s0 =	sadd.s32 s18, s4;
	[dreg:$0xc] =	wrdreg s25  }
0x15: {  	s17 =	simm.s32 $0x1900;
	s18 =	simm.s32 $0x4100;
	s20 =	simm.s32 $0x6900  }
0x16: {  	s22 =	simm.s32 $0x9100;
	s24 =	simm.s32 $0xB900;
	s19 =	simm.s32 $0x3  }
0x17: {  	s21 =	simm.s32 $0x4;
	s23 =	simm.s32 $0x5;
	s0 =	sadd.s32 s1, s0  }
0x18: {  	s25 =	simm.s32 $0x6;
	s4 =	simm.s32 $0x9;
	s0 =	sadd.s32 $0x2300, s0  }
0x19: {  	s1 =	simm.s32 $0x1;
	[dreg:$0xe] =	wrdreg s0;
	s0 =	simm.s32 $0x2  }
.LBB2_1:
0x1a: {  	[dreg:$0xf] =	wrdreg s13  }
0x1b: {  	s12 =	rddreg [dreg:$0x4];
	s15 =	simm.s32 $0x11  }
0x1c: {  	[tilespmem:s3], [sflag:$0x11] =	stream.linear.gather [hbm4b:s12+s3], $0x1900, $0x38;
	[tilespmem:$0x15900] =	vst v63  }
0x1d: {  	_ =	swait.ge [sflag:s15], $0x1900  }
0x1e: {  	[sflag:s15] =	ssyncset.done $0x0  }
0x1f: {  	[sflag:s15] =	ssyncadd.s32 $0xFFFFE700  }
0x20: {  	[tilespmem:s17], [sflag:$0x1] =	stream.indirect.gather [hbm4b:s2+s16], $0x80, s3, s16, $0xb8;
	[tilespmem:$0x15900] =	vst v63  }
0x21: {  	_ = 	snop  }
0x22: {  	[tilespmem:s18], [sflag:$0x2] =	stream.indirect.gather [hbm4b:s2+s16], $0x80, s16, s16, $0xb8;
	[tilespmem:$0x15900] =	vst v63  }
0x23: {  	s13 =	simm.s32 $0xA0  }
0x24: {  	[tilespmem:s20], [sflag:$0x3] =	stream.indirect.gather [hbm4b:s2+s16], $0x80, s13, s16, $0xb8;
	[tilespmem:$0x15900] =	vst v63  }
0x25: {  	s14 =	simm.s32 $0xF0  }
0x26: {  	[tilespmem:s22], [sflag:$0x4] =	stream.indirect.gather [hbm4b:s2+s16], $0x80, s14, s16, $0xb8;
	[tilespmem:$0x15900] =	vst v63  }
0x27: {  	s15 =	simm.s32 $0x140  }
0x28: {  	[tilespmem:s24], [sflag:$0x5] =	stream.indirect.gather [hbm4b:s2+s16], $0x80, s15, s16, $0xb8;
	[tilespmem:$0x15900] =	vst v63  }
0x29: {  	s13 =	simm.s32 $0x190  }
0x2a: {  	[tilespmem:s26], [sflag:$0x6] =	stream.indirect.gather [hbm4b:s2+s16], $0x80, s13, s16, $0xb8;
	[tilespmem:$0x15900] =	vst v63  }
0x2b: {  	s14 =	simm.s32 $0x1E0  }
0x2c: {  	[tilespmem:s29], [sflag:$0x7] =	stream.indirect.gather [hbm4b:s2+s16], $0x80, s14, s16, $0xb8;
	[tilespmem:$0x15900] =	vst v63  }
0x2d: {  	s15 =	simm.s32 $0x230  }
0x2e: {  	[tilespmem:s31], [sflag:$0x8] =	stream.indirect.gather [hbm4b:s2+s16], $0x80, s15, s16, $0xb8;
	[tilespmem:$0x15900] =	vst v63  }
0x2f: {  	_ =	swait.ge [sflag:s1], $0x2800  }
0x30: {  	[sflag:s1] =	ssyncset.done $0x0;
	s14 =	rddreg [dreg:$0xe]  }
0x31: {  	[sflag:s1] =	ssyncadd.s32 $0xFFFFD800;
	s13 =	sadd.s32 $0xFFFFDD00, s14  }
0x32: {  	[hbm4b:s13+s3] =	stream.linear.scatter [tilespmem:s17], [sflag:$0x9], $0x2800, $0x38;
	[tilespmem:$0x15900] =	vst v63  }
0x33: {  	_ =	swait.ge [sflag:s0], $0x2800  }
0x34: {  	[sflag:s0] =	ssyncset.done $0x0  }
0x35: {  	s15 =	sadd.s32 $0xFFFFE200, s14;
	[sflag:s0] =	ssyncadd.s32 $0xFFFFD800  }
0x36: {  	[hbm4b:s15+s3] =	stream.linear.scatter [tilespmem:s18], [sflag:$0xA], $0x2800, $0x38;
	[tilespmem:$0x15900] =	vst v63  }
0x37: {  	_ =	swait.ge [sflag:s19], $0x2800  }
0x38: {  	[sflag:s19] =	ssyncset.done $0x0  }
0x39: {  	s13 =	sadd.s32 $0xFFFFE700, s14;
	[sflag:s19] =	ssyncadd.s32 $0xFFFFD800  }
0x3a: {  	[hbm4b:s13+s3] =	stream.linear.scatter [tilespmem:s20], [sflag:$0xB], $0x2800, $0x38;
	[tilespmem:$0x15900] =	vst v63  }
0x3b: {  	_ =	swait.ge [sflag:s21], $0x2800  }
0x3c: {  	[sflag:s21] =	ssyncset.done $0x0  }
0x3d: {  	s15 =	sadd.s32 $0xFFFFEC00, s14;
	[sflag:s21] =	ssyncadd.s32 $0xFFFFD800  }
0x3e: {  	[hbm4b:s15+s3] =	stream.linear.scatter [tilespmem:s22], [sflag:$0xC], $0x2800, $0x38;
	[tilespmem:$0x15900] =	vst v63  }
0x3f: {  	_ =	swait.ge [sflag:s23], $0x2800  }
0x40: {  	[sflag:s23] =	ssyncset.done $0x0  }
0x41: {  	s13 =	sadd.s32 $0xFFFFF100, s14;
	[sflag:s23] =	ssyncadd.s32 $0xFFFFD800  }
0x42: {  	[hbm4b:s13+s3] =	stream.linear.scatter [tilespmem:s24], [sflag:$0xD], $0x2800, $0x38;
	[tilespmem:$0x15900] =	vst v63  }
0x43: {  	_ =	swait.ge [sflag:s25], $0x2800  }
0x44: {  	[sflag:s25] =	ssyncset.done $0x0  }
0x45: {  	s15 =	sadd.s32 $0xFFFFF600, s14;
	[sflag:s25] =	ssyncadd.s32 $0xFFFFD800  }
0x46: {  	[hbm4b:s15+s3] =	stream.linear.scatter [tilespmem:s26], [sflag:$0xE], $0x2800, $0x38;
	[tilespmem:$0x15900] =	vst v63  }
0x47: {  	_ =	swait.ge [sflag:s28], $0x2800  }
0x48: {  	[sflag:s28] =	ssyncset.done $0x0  }
0x49: {  	s13 =	sadd.s32 $0xFFFFFB00, s14;
	[sflag:s28] =	ssyncadd.s32 $0xFFFFD800  }
0x4a: {  	[hbm4b:s13+s3] =	stream.linear.scatter [tilespmem:s29], [sflag:$0xF], $0x2800, $0x38;
	[tilespmem:$0x15900] =	vst v63  }
0x4b: {  	_ =	swait.ge [sflag:s30], $0x2800  }
0x4c: {  	[sflag:s30] =	ssyncset.done $0x0  }
0x4d: {  	[sflag:s30] =	ssyncadd.s32 $0xFFFFD800  }
0x4e: {  	[hbm4b:s14+s3] =	stream.linear.scatter [tilespmem:s31], [sflag:$0x10], $0x2800, $0x38;
	[tilespmem:$0x15900] =	vst v63  }
0x4f: {  	_ =	swait.ge [sflag:s4], $0x2800  }
0x50: {  	[sflag:s4] =	ssyncset.done $0x0  }
0x51: {  	s15 =	simm.s32 $0x280;
	[sflag:s4] =	ssyncadd.s32 $0xFFFFD800  }
0x52: {  	[tilespmem:s17], [sflag:$0x1] =	stream.indirect.gather [hbm4b:s2+s16], $0x80, s15, s16, $0xb8;
	[tilespmem:$0x15900] =	vst v63  }
0x53: {  	_ =	swait.ge [sflag:s5], $0x2800  }
0x54: {  	[sflag:s5] =	ssyncset.done $0x0  }
0x55: {  	s13 =	simm.s32 $0x2D0;
	[sflag:s5] =	ssyncadd.s32 $0xFFFFD800  }
0x56: {  	[tilespmem:s18], [sflag:$0x2] =	stream.indirect.gather [hbm4b:s2+s16], $0x80, s13, s16, $0xb8;
	[tilespmem:$0x15900] =	vst v63  }
0x57: {  	_ =	swait.ge [sflag:s6], $0x2800  }
0x58: {  	[sflag:s6] =	ssyncset.done $0x0  }
0x59: {  	s15 =	simm.s32 $0x320;
	[sflag:s6] =	ssyncadd.s32 $0xFFFFD800  }
0x5a: {  	[tilespmem:s20], [sflag:$0x3] =	stream.indirect.gather [hbm4b:s2+s16], $0x80, s15, s16, $0xb8;
	[tilespmem:$0x15900] =	vst v63  }
0x5b: {  	_ =	swait.ge [sflag:s7], $0x2800  }
0x5c: {  	[sflag:s7] =	ssyncset.done $0x0  }
0x5d: {  	s13 =	simm.s32 $0x370;
	[sflag:s7] =	ssyncadd.s32 $0xFFFFD800  }
0x5e: {  	[tilespmem:s22], [sflag:$0x4] =	stream.indirect.gather [hbm4b:s2+s16], $0x80, s13, s16, $0xb8;
	[tilespmem:$0x15900] =	vst v63  }
0x5f: {  	_ =	swait.ge [sflag:s8], $0x2800  }
0x60: {  	[sflag:s8] =	ssyncset.done $0x0  }
0x61: {  	s15 =	simm.s32 $0x3C0;
	[sflag:s8] =	ssyncadd.s32 $0xFFFFD800  }
0x62: {  	[tilespmem:s24], [sflag:$0x5] =	stream.indirect.gather [hbm4b:s2+s16], $0x80, s15, s16, $0xb8;
	[tilespmem:$0x15900] =	vst v63  }
0x63: {  	_ =	swait.ge [sflag:s9], $0x2800  }
0x64: {  	[sflag:s9] =	ssyncset.done $0x0  }
0x65: {  	s13 =	simm.s32 $0x410;
	[sflag:s9] =	ssyncadd.s32 $0xFFFFD800  }
0x66: {  	[tilespmem:s26], [sflag:$0x6] =	stream.indirect.gather [hbm4b:s2+s16], $0x80, s13, s16, $0xb8;
	[tilespmem:$0x15900] =	vst v63  }
0x67: {  	_ =	swait.ge [sflag:s10], $0x2800  }
0x68: {  	[sflag:s10] =	ssyncset.done $0x0  }
0x69: {  	s15 =	simm.s32 $0x460;
	[sflag:s10] =	ssyncadd.s32 $0xFFFFD800  }
0x6a: {  	[tilespmem:s29], [sflag:$0x7] =	stream.indirect.gather [hbm4b:s2+s16], $0x80, s15, s16, $0xb8;
	[tilespmem:$0x15900] =	vst v63  }
0x6b: {  	_ =	swait.ge [sflag:s11], $0x2800  }
0x6c: {  	s12 =	simm.s32 $0x4B0;
	[sflag:s11] =	ssyncset.done $0x0  }
0x6d: {  	s13 =	simm.s32 $0xA00;
	s15 =	sadd.s32 $0x2800, s14;
	[sflag:s11] =	ssyncadd.s32 $0xFFFFD800  }
.LBB2_2:
0x6e: {  	[tilespmem:s31], [sflag:$0x8] =	stream.indirect.gather [hbm4b:s2+s16], $0x80, s12, s16, $0xb8;
	[tilespmem:$0x15900] =	vst v63  }
0x6f: {  	s12 =	smov.u32 s13  }
0x70: {  	p0 =	sne.s32 s13, $0x5000;
	s13 =	sadd.s32 $0xA00, s13;
	_ =	swait.ge [sflag:s1], $0x2800  }
0x71: {  	[sflag:s1] =	ssyncset.done $0x0  }
0x72: {  	s14 =	sadd.s32 $0xFFFFDD00, s15;
	[sflag:s1] =	ssyncadd.s32 $0xFFFFD800  }
0x73: {  	[hbm4b:s14+s3] =	stream.linear.scatter [tilespmem:s17], [sflag:$0x9], $0x2800, $0x38;
	[tilespmem:$0x15900] =	vst v63  }
0x74: {  	_ =	swait.ge [sflag:s0], $0x2800  }
0x75: {  	[sflag:s0] =	ssyncset.done $0x0  }
0x76: {  	s14 =	sadd.s32 $0xFFFFE200, s15;
	[sflag:s0] =	ssyncadd.s32 $0xFFFFD800  }
0x77: {  	[hbm4b:s14+s3] =	stream.linear.scatter [tilespmem:s18], [sflag:$0xA], $0x2800, $0x38;
	[tilespmem:$0x15900] =	vst v63  }
0x78: {  	_ =	swait.ge [sflag:s19], $0x2800  }
0x79: {  	[sflag:s19] =	ssyncset.done $0x0  }
0x7a: {  	s14 =	sadd.s32 $0xFFFFE700, s15;
	[sflag:s19] =	ssyncadd.s32 $0xFFFFD800  }
0x7b: {  	[hbm4b:s14+s3] =	stream.linear.scatter [tilespmem:s20], [sflag:$0xB], $0x2800, $0x38;
	[tilespmem:$0x15900] =	vst v63  }
0x7c: {  	_ =	swait.ge [sflag:s21], $0x2800  }
0x7d: {  	[sflag:s21] =	ssyncset.done $0x0  }
0x7e: {  	s14 =	sadd.s32 $0xFFFFEC00, s15;
	[sflag:s21] =	ssyncadd.s32 $0xFFFFD800  }
0x7f: {  	[hbm4b:s14+s3] =	stream.linear.scatter [tilespmem:s22], [sflag:$0xC], $0x2800, $0x38;
	[tilespmem:$0x15900] =	vst v63  }
0x80: {  	_ =	swait.ge [sflag:s23], $0x2800  }
0x81: {  	[sflag:s23] =	ssyncset.done $0x0  }
0x82: {  	s14 =	sadd.s32 $0xFFFFF100, s15;
	[sflag:s23] =	ssyncadd.s32 $0xFFFFD800  }
0x83: {  	[hbm4b:s14+s3] =	stream.linear.scatter [tilespmem:s24], [sflag:$0xD], $0x2800, $0x38;
	[tilespmem:$0x15900] =	vst v63  }
0x84: {  	_ =	swait.ge [sflag:s25], $0x2800  }
0x85: {  	[sflag:s25] =	ssyncset.done $0x0  }
0x86: {  	s14 =	sadd.s32 $0xFFFFF600, s15;
	[sflag:s25] =	ssyncadd.s32 $0xFFFFD800  }
0x87: {  	[hbm4b:s14+s3] =	stream.linear.scatter [tilespmem:s26], [sflag:$0xE], $0x2800, $0x38;
	[tilespmem:$0x15900] =	vst v63  }
0x88: {  	_ =	swait.ge [sflag:s28], $0x2800  }
0x89: {  	[sflag:s28] =	ssyncset.done $0x0  }
0x8a: {  	s14 =	sadd.s32 $0xFFFFFB00, s15;
	[sflag:s28] =	ssyncadd.s32 $0xFFFFD800  }
0x8b: {  	[hbm4b:s14+s3] =	stream.linear.scatter [tilespmem:s29], [sflag:$0xF], $0x2800, $0x38;
	[tilespmem:$0x15900] =	vst v63  }
0x8c: {  	_ =	swait.ge [sflag:s30], $0x2800  }
0x8d: {  	[sflag:s30] =	ssyncset.done $0x0  }
0x8e: {  	[sflag:s30] =	ssyncadd.s32 $0xFFFFD800  }
0x8f: {  	[hbm4b:s15+s3] =	stream.linear.scatter [tilespmem:s31], [sflag:$0x10], $0x2800, $0x38;
	[tilespmem:$0x15900] =	vst v63  }
0x90: {  	_ =	swait.ge [sflag:s4], $0x2800  }
0x91: {  	s12 =	sshra.s32 s12, $0x2;
	[sflag:s4] =	ssyncset.done $0x0  }
0x92: {  	s14 =	sadd.s32 $0x280, s12;
	[sflag:s4] =	ssyncadd.s32 $0xFFFFD800  }
0x93: {  	[tilespmem:s17], [sflag:$0x1] =	stream.indirect.gather [hbm4b:s2+s16], $0x80, s14, s16, $0xb8;
	[tilespmem:$0x15900] =	vst v63  }
0x94: {  	_ =	swait.ge [sflag:s5], $0x2800  }
0x95: {  	[sflag:s5] =	ssyncset.done $0x0  }
0x96: {  	s14 =	sadd.s32 $0x2D0, s12;
	[sflag:s5] =	ssyncadd.s32 $0xFFFFD800  }
0x97: {  	[tilespmem:s18], [sflag:$0x2] =	stream.indirect.gather [hbm4b:s2+s16], $0x80, s14, s16, $0xb8;
	[tilespmem:$0x15900] =	vst v63  }
0x98: {  	_ =	swait.ge [sflag:s6], $0x2800  }
0x99: {  	[sflag:s6] =	ssyncset.done $0x0  }
0x9a: {  	s14 =	sadd.s32 $0x320, s12;
	[sflag:s6] =	ssyncadd.s32 $0xFFFFD800  }
0x9b: {  	[tilespmem:s20], [sflag:$0x3] =	stream.indirect.gather [hbm4b:s2+s16], $0x80, s14, s16, $0xb8;
	[tilespmem:$0x15900] =	vst v63  }
0x9c: {  	_ =	swait.ge [sflag:s7], $0x2800  }
0x9d: {  	[sflag:s7] =	ssyncset.done $0x0  }
0x9e: {  	s14 =	sadd.s32 $0x370, s12;
	[sflag:s7] =	ssyncadd.s32 $0xFFFFD800  }
0x9f: {  	[tilespmem:s22], [sflag:$0x4] =	stream.indirect.gather [hbm4b:s2+s16], $0x80, s14, s16, $0xb8;
	[tilespmem:$0x15900] =	vst v63  }
0xa0: {  	_ =	swait.ge [sflag:s8], $0x2800  }
0xa1: {  	[sflag:s8] =	ssyncset.done $0x0  }
0xa2: {  	s14 =	sadd.s32 $0x3C0, s12;
	[sflag:s8] =	ssyncadd.s32 $0xFFFFD800  }
0xa3: {  	[tilespmem:s24], [sflag:$0x5] =	stream.indirect.gather [hbm4b:s2+s16], $0x80, s14, s16, $0xb8;
	[tilespmem:$0x15900] =	vst v63  }
0xa4: {  	_ =	swait.ge [sflag:s9], $0x2800  }
0xa5: {  	[sflag:s9] =	ssyncset.done $0x0  }
0xa6: {  	s14 =	sadd.s32 $0x410, s12;
	[sflag:s9] =	ssyncadd.s32 $0xFFFFD800  }
0xa7: {  	[tilespmem:s26], [sflag:$0x6] =	stream.indirect.gather [hbm4b:s2+s16], $0x80, s14, s16, $0xb8;
	[tilespmem:$0x15900] =	vst v63  }
0xa8: {  	_ =	swait.ge [sflag:s10], $0x2800  }
0xa9: {  	[sflag:s10] =	ssyncset.done $0x0  }
.Ltmp0:
0xaa: {  	s14 =	sadd.s32 $0x460, s12;
	[sflag:s10] =	ssyncadd.s32 $0xFFFFD800;
	(pc) =	sbr.rel @p0 .LBB2_2-.Ltmp0, $4  }
0xab: {  	[tilespmem:s29], [sflag:$0x7] =	stream.indirect.gather [hbm4b:s2+s16], $0x80, s14, s16, $0xb8;
	[tilespmem:$0x15900] =	vst v63  }
0xac: {  	_ =	swait.ge [sflag:s11], $0x2800  }
0xad: {  	[sflag:s11] =	ssyncset.done $0x0  }
0xae: {  	s15 =	sadd.s32 $0x2800, s15;
	s12 =	sadd.s32 $0x4B0, s12;
	[sflag:s11] =	ssyncadd.s32 $0xFFFFD800  }
0xaf: {  	[tilespmem:s31], [sflag:$0x8] =	stream.indirect.gather [hbm4b:s2+s16], $0x80, s12, s16, $0xb8;
	[tilespmem:$0x15900] =	vst v63  }
0xb0: {  	_ =	swait.ge [sflag:s1], $0x2800  }
0xb1: {  	[sflag:s1] =	ssyncset.done $0x0  }
0xb2: {  	s13 =	rddreg [dreg:$0x5];
	[sflag:s1] =	ssyncadd.s32 $0xFFFFD800  }
0xb3: {  	[hbm4b:s13+s3] =	stream.linear.scatter [tilespmem:s17], [sflag:$0x9], $0x2800, $0x38;
	[tilespmem:$0x15900] =	vst v63  }
0xb4: {  	_ =	swait.ge [sflag:s0], $0x2800  }
0xb5: {  	[sflag:s0] =	ssyncset.done $0x0  }
0xb6: {  	s14 =	rddreg [dreg:$0x6];
	[sflag:s0] =	ssyncadd.s32 $0xFFFFD800  }
0xb7: {  	[hbm4b:s14+s3] =	stream.linear.scatter [tilespmem:s18], [sflag:$0xA], $0x2800, $0x38;
	[tilespmem:$0x15900] =	vst v63  }
0xb8: {  	_ =	swait.ge [sflag:s19], $0x2800  }
0xb9: {  	[sflag:s19] =	ssyncset.done $0x0  }
0xba: {  	s15 =	rddreg [dreg:$0x7];
	[sflag:s19] =	ssyncadd.s32 $0xFFFFD800  }
0xbb: {  	[hbm4b:s15+s3] =	stream.linear.scatter [tilespmem:s20], [sflag:$0xB], $0x2800, $0x38;
	[tilespmem:$0x15900] =	vst v63  }
0xbc: {  	_ =	swait.ge [sflag:s21], $0x2800  }
0xbd: {  	[sflag:s21] =	ssyncset.done $0x0  }
0xbe: {  	s13 =	rddreg [dreg:$0x8];
	[sflag:s21] =	ssyncadd.s32 $0xFFFFD800  }
0xbf: {  	[hbm4b:s13+s3] =	stream.linear.scatter [tilespmem:s22], [sflag:$0xC], $0x2800, $0x38;
	[tilespmem:$0x15900] =	vst v63  }
0xc0: {  	_ =	swait.ge [sflag:s23], $0x2800  }
0xc1: {  	[sflag:s23] =	ssyncset.done $0x0  }
0xc2: {  	s14 =	rddreg [dreg:$0x9];
	[sflag:s23] =	ssyncadd.s32 $0xFFFFD800  }
0xc3: {  	[hbm4b:s14+s3] =	stream.linear.scatter [tilespmem:s24], [sflag:$0xD], $0x2800, $0x38;
	[tilespmem:$0x15900] =	vst v63  }
0xc4: {  	_ =	swait.ge [sflag:s25], $0x2800  }
0xc5: {  	[sflag:s25] =	ssyncset.done $0x0  }
0xc6: {  	s15 =	rddreg [dreg:$0xa];
	[sflag:s25] =	ssyncadd.s32 $0xFFFFD800  }
0xc7: {  	[hbm4b:s15+s3] =	stream.linear.scatter [tilespmem:s26], [sflag:$0xE], $0x2800, $0x38;
	[tilespmem:$0x15900] =	vst v63  }
0xc8: {  	_ =	swait.ge [sflag:s28], $0x2800  }
0xc9: {  	[sflag:s28] =	ssyncset.done $0x0  }
0xca: {  	s13 =	rddreg [dreg:$0xb];
	[sflag:s28] =	ssyncadd.s32 $0xFFFFD800  }
0xcb: {  	[hbm4b:s13+s3] =	stream.linear.scatter [tilespmem:s29], [sflag:$0xF], $0x2800, $0x38;
	[tilespmem:$0x15900] =	vst v63  }
0xcc: {  	_ =	swait.ge [sflag:s30], $0x2800  }
0xcd: {  	[sflag:s30] =	ssyncset.done $0x0  }
0xce: {  	s14 =	rddreg [dreg:$0xc];
	[sflag:s30] =	ssyncadd.s32 $0xFFFFD800  }
0xcf: {  	[hbm4b:s14+s3] =	stream.linear.scatter [tilespmem:s31], [sflag:$0x10], $0x2800, $0x38;
	[tilespmem:$0x15900] =	vst v63  }
0xd0: {  	_ =	swait.ge [sflag:s4], $0x2800  }
0xd1: {  	[sflag:s4] =	ssyncset.done $0x0  }
0xd2: {  	[sflag:s4] =	ssyncadd.s32 $0xFFFFD800  }
0xd3: {  	_ =	swait.ge [sflag:s5], $0x2800  }
0xd4: {  	[sflag:s5] =	ssyncset.done $0x0  }
0xd5: {  	[sflag:s5] =	ssyncadd.s32 $0xFFFFD800  }
0xd6: {  	_ =	swait.ge [sflag:s6], $0x2800  }
0xd7: {  	[sflag:s6] =	ssyncset.done $0x0  }
0xd8: {  	[sflag:s6] =	ssyncadd.s32 $0xFFFFD800  }
0xd9: {  	_ =	swait.ge [sflag:s7], $0x2800  }
0xda: {  	[sflag:s7] =	ssyncset.done $0x0  }
0xdb: {  	[sflag:s7] =	ssyncadd.s32 $0xFFFFD800  }
0xdc: {  	_ =	swait.ge [sflag:s8], $0x2800  }
0xdd: {  	[sflag:s8] =	ssyncset.done $0x0  }
0xde: {  	[sflag:s8] =	ssyncadd.s32 $0xFFFFD800  }
0xdf: {  	_ =	swait.ge [sflag:s9], $0x2800  }
0xe0: {  	[sflag:s9] =	ssyncset.done $0x0  }
0xe1: {  	[sflag:s9] =	ssyncadd.s32 $0xFFFFD800  }
0xe2: {  	_ =	swait.ge [sflag:s10], $0x2800  }
0xe3: {  	[sflag:s10] =	ssyncset.done $0x0  }
0xe4: {  	[sflag:s10] =	ssyncadd.s32 $0xFFFFD800  }
0xe5: {  	_ =	swait.ge [sflag:s11], $0x2800  }
0xe6: {  	s13 =	rddreg [dreg:$0xf]  }
0xe7: {  	s15 =	rddreg [dreg:$0xd];
	s13 =	sadd.s32 $0x1, s13  }
0xe8: {  	p0 =	sne.s32 s13, s15  }
.Ltmp1:
0xe9: {  	_ = 	snop;
	(pc) =	sbr.rel @p0 .LBB2_1-.Ltmp1, $3  }
0xea: {  	_ =	sdelay $0x1  }
0xeb: {  	[sflag:s11] =	ssyncset.done $0x0  }
0xec: {  	[sflag:s11] =	ssyncadd.s32 $0xFFFFD800  }
0xed: {  	_ =	sfence.sel $0x180000  }
0xee: {  	[bflag:$0x0] =	sbarrier.arrive $0xFFFF  }
0xef: {  	_ =	strace $0x90000047  }
0xf0: {  	s0 =	stileid.u32;
	[bflag:$0x2] =	sbarrier.arrive $0xFFFF  }
0xf1: {  	p0 =	sne.s32 s0, $0x0;
	s0 =	rddreg [dreg:$0x3]  }
0xf2: {  	s0 =	sadd.s32 @!p0 $0x100000, s0  }
0xf3: {  	[sflag:s0] =	ssyncadd.tile.s32 @!p0 $0x1;
	_ =	shalt  }
.Lfunc_end2:
_tile_overlayer_lowered:
.L_overlay_start_2:
0xf4: {  	(tag) =	ssettag $0x2  }
0xf5: {  	s0 =	rddreg [dreg:$0x0];
	s2 =	stileid.u32  }
0xf6: {  	s1 =	rddreg [dreg:$0x1];
	p0 =	sne.s32 s2, $0x0  }
0xf7: {  	s3 =	rddreg [dreg:$0x2];
	[bflag:$0x3] =	sbarrier.arrive $0xFFFF;
	s2 =	simm.s32 @!p0 $0x1C11  }
0xf8: {  	[timem:s3], [sflag:s2] =	dma.local @!p0 [hbm:s0], s1  }
0xf9: {  	s0 =	simm.s32 @!p0 $0x11  }
0xfa: {  	_ =	swait.ge @!p0 [sflag:s0], s1  }
0xfb: {  	s1 =	ssub.s32 @!p0 $0x0, s1;
	[sflag:s0] =	ssyncset.done @!p0 $0x0  }
0xfc: {  	[sflag:s0] =	ssyncadd.s32 @!p0 s1  }
0xfd: {  	[bflag:$0x3] =	sbarrier.arrive $0xFFFF  }
0xfe: {  	_ =	shalt  }

</sc_bundles>
